<compile_context>
chip_gen: v7x
topology: tpu7x:2x2x1
jax: 0.10.2.dev20260603
libtpu: 0.0.44.dev20260713+nightly
codegen_flags: <defaults>
</compile_context>

<pallas_src>
import functools

import jax
import jax.numpy as jnp
from jax import lax
from jax.experimental import pallas as pl
from jax.experimental.pallas import tpu as pltpu
from jax.experimental.pallas import tpu_sc as plsc

M = 1_000_000
D = 32
N = 819_200

C = 57_088
NCHUNK = 18
TRASH = 16
B = 256
RING = 1_024
PPT = N // 16
SEG = 6_400
NSEG = PPT // SEG
NBLK = SEG // 256
RPT_FULL = C // 16
LAST_ROWS = M - (NCHUNK - 1) * C
RPT_LAST = (LAST_ROWS // 16) & ~7
LAST_TAIL = LAST_ROWS - 16 * RPT_LAST

_mesh = plsc.VectorSubcoreMesh(core_axis_name="c", subcore_axis_name="s")


@functools.partial(
    pl.kernel,
    out_type=jax.ShapeDtypeStruct((M, D), jnp.float32),
    mesh=_mesh,
    compiler_params=pltpu.CompilerParams(
        needs_layout_passes=False, use_tc_tiling_on_sc=False),
    scratch_types=[
        pltpu.VMEM((SEG,), jnp.int32),
        pltpu.VMEM((RING,), jnp.int32),
        pltpu.VMEM((RING,), jnp.int32),
        pltpu.VMEM((B, D), jnp.float32),
        pltpu.VMEM_SHARED((C + TRASH, D), jnp.float32),
        pltpu.SemaphoreType.DMA,
    ],
)
def _splat(lattice_hbm, positions_hbm, values_hbm, out_hbm,
           posseg, locring, srcring, rows_v, acc, sem):
    c = lax.axis_index("c")
    s = lax.axis_index("s")
    iota = lax.broadcasted_iota(jnp.int32, (16,), 0)
    ones = iota * 0 + 1
    zeros = iota * 0
    pbase = s * PPT
    nmine = 9

    def flush_batches(cnt_s, done):
        def cond(st):
            return cnt_s - st[0] >= B

        def body(st):
            done_i, _ = st
            start = pl.multiple_of(done_i & (RING - 1), 128)
            pltpu.async_copy(
                values_hbm.at[srcring.at[pl.ds(start, B)]], rows_v, sem
            ).wait()
            pltpu.sync_copy(rows_v.at[pl.ds(0, 128)],
                            acc.at[locring.at[pl.ds(start, 128)]], add=True)
            pltpu.sync_copy(rows_v.at[pl.ds(128, 128)],
                            acc.at[locring.at[pl.ds(start + 128, 128)]],
                            add=True)
            return (done_i + B, jnp.int32(0))

        done, _ = lax.while_loop(cond, body, (done, jnp.int32(0)))
        return done

    def chunk_body(k, carry):
        cnt_v, done = carry
        chunk = 2 * k + c
        lo = chunk * C

        pltpu.sync_copy(lattice_hbm.at[pl.ds(s * RPT_FULL, RPT_FULL)],
                        acc.at[pl.ds(s * RPT_FULL, RPT_FULL)])
        plsc.subcore_barrier()

        def seg_body(g, carry):
            cnt_v, done = carry
            pltpu.sync_copy(
                positions_hbm.at[pl.ds(pl.multiple_of(pbase + g * SEG, 128),
                                       SEG)], posseg)

            def blk_body(b, carry):
                cnt_v, done = carry
                base = b * 256

                def vec_body(v, cnt_v):
                    p = posseg[pl.ds(base + v * 16, 16)]
                    t = p - lo
                    m = (t >= 0) & (t < C)
                    mi = jnp.where(m, ones, zeros)
                    off = cnt_v + plsc.cumsum(mi) - 1
                    srcid = iota + (pbase + g * SEG + base + v * 16)
                    plsc.store_scatter(srcring, [off & (RING - 1)], srcid,
                                       mask=m)
                    plsc.store_scatter(locring, [off & (RING - 1)], t,
                                       mask=m)
                    return cnt_v + plsc.all_reduce_population_count(m)

                cnt_v = lax.fori_loop(0, 16, vec_body, cnt_v, unroll=True)
                done = flush_batches(cnt_v[0], done)
                return (cnt_v, done)

            return lax.fori_loop(0, NBLK, blk_body, (cnt_v, done))

        cnt_v, done = lax.fori_loop(0, NSEG, seg_body, (cnt_v, done))

        cnt_s = cnt_v[0]
        npad = (B - (cnt_s - done) % B) % B
        trash16 = iota + C

        def pad_body(j, _):
            off = cnt_s + j * 16 + iota
            plsc.store_scatter(srcring, [off & (RING - 1)], iota)
            plsc.store_scatter(locring, [off & (RING - 1)], trash16)
            return _

        lax.fori_loop(0, (npad + 15) >> 4, pad_body, jnp.int32(0))
        cnt_v = cnt_v + npad
        done = flush_batches(cnt_s + npad, done)
        plsc.subcore_barrier()

        is_last = chunk == NCHUNK - 1

        @pl.when(jnp.logical_not(is_last))
        def _():
            pltpu.sync_copy(acc.at[pl.ds(s * RPT_FULL, RPT_FULL)],
                            out_hbm.at[pl.ds(lo + s * RPT_FULL, RPT_FULL)])

        @pl.when(is_last)
        def _():
            pltpu.sync_copy(acc.at[pl.ds(s * RPT_LAST, RPT_LAST)],
                            out_hbm.at[pl.ds(lo + s * RPT_LAST, RPT_LAST)])

        @pl.when(jnp.logical_and(is_last, s == 0))
        def _():
            pltpu.sync_copy(
                acc.at[pl.ds(16 * RPT_LAST, LAST_TAIL)],
                out_hbm.at[pl.ds(lo + 16 * RPT_LAST, LAST_TAIL)])

        plsc.subcore_barrier()
        return (cnt_v, done)

    lax.fori_loop(0, nmine, chunk_body,
                  (jnp.zeros((16,), jnp.int32), jnp.int32(0)))


def kernel(lattice_py, positions, values):
    return _splat(lattice_py, positions, values)

# --- scband reference (transcript-rebuilt; emitter-appended) ---
"""Pipeline reference for scband-splat-lattice-module-25400436588637 (READ-ONLY COPY).

The authoritative reference and input builder live on the scoring server;
editing this copy changes nothing except your own understanding.
"""

import jax, jax.numpy as jnp
import numpy as np

M = 1000000
D = 32
N = 819200

def setup_inputs(seed: int = 0) -> dict:
    key = jax.random.key(seed)
    k1, k2 = jax.random.split(key, 2)
    lattice_py = jnp.zeros((M, D), dtype=jnp.float32)
    positions = jax.random.randint(k1, (N,), 0, M, dtype=jnp.int32)
    values = jax.random.normal(k2, (N, D), dtype=jnp.float32)
    return {"lattice_py": lattice_py, "positions": positions, "values": values}

def reference(lattice_py, positions, values):
    # SplatLattice: scatter-accumulate (splat) each point's value vector onto
    # its lattice vertex. Equivalent to a scatter-add into the lattice memory.
    out = lattice_py.at[positions].add(values)
    return out

if __name__ == "__main__":
    import jax
    _d = setup_inputs()
    print(jax.jit(kernel)(*tuple(_d.values())))

</pallas_src>

<mosaic_0001>
#map = affine_map<(d0, d1) -> (0, 0)>
#map1 = affine_map<(d0, d1) -> (0)>
module attributes {stable_mosaic.version = 14 : i64} {
  func.func @_splat(%arg0: i32, %arg1: i32, %arg2: memref<1000000x32xf32, #tpu.memory_space<hbm>>, %arg3: memref<819200xi32, #tpu.memory_space<hbm>>, %arg4: memref<819200x32xf32, #tpu.memory_space<hbm>>, %arg5: memref<1000000x32xf32, #tpu.memory_space<hbm>>, %arg6: memref<6400xi32, #tpu.memory_space<vmem>>, %arg7: memref<1024xi32, #tpu.memory_space<vmem>>, %arg8: memref<1024xi32, #tpu.memory_space<vmem>>, %arg9: memref<256x32xf32, #tpu.memory_space<vmem>>, %arg10: memref<57104x32xf32, #tpu.memory_space<vmem_shared>>, %arg11: memref<!tpu.dma_semaphore, #tpu.memory_space<semaphore_mem>>) attributes {dimension_semantics = [#tpu.dimension_semantics<core_parallel>, #tpu.dimension_semantics<subcore_parallel>], iteration_bounds = array<i64: 2, 16>, scalar_prefetch = 0 : i64, scratch_operands = 6 : i64, tpu.core_type = #tpu.core_type<sc_vector_subcore>, window_params = [{transform_indices = #map}, {transform_indices = #map1}, {transform_indices = #map}, {transform_indices = #map}]} {
    %iota3A = tpu.iota {dimensions = array<i32: 0>} : vector<16xi32>
    %mul3A = arith.constant 0 : i32
    %mul3A_0 = vector.broadcast %mul3A : i32 to vector<16xi32>
    %mul3A_1 = arith.muli %iota3A, %mul3A_0 : vector<16xi32>
    %add3A = arith.constant 1 : i32
    %add3A_2 = vector.broadcast %add3A : i32 to vector<16xi32>
    %add3A_3 = arith.addi %mul3A_1, %add3A_2 : vector<16xi32>
    %mul3A_4 = arith.constant 0 : i32
    %mul3A_5 = vector.broadcast %mul3A_4 : i32 to vector<16xi32>
    %mul3A_6 = arith.muli %iota3A, %mul3A_5 : vector<16xi32>
    %mul3A_7 = arith.constant 51200 : i32
    %mul3A_8 = arith.muli %arg1, %mul3A_7 : i32
    %broadcast_in_dim3A = arith.constant 0 : i32
    %broadcast_in_dim3A_9 = vector.broadcast %broadcast_in_dim3A : i32 to vector<16xi32>
    %scan3A = arith.constant 0 : i32
    %scan3A_10 = arith.constant 0 : i32
    %scan3A_11 = arith.constant 9 : i32
    %scan3A_12 = arith.addi %scan3A_10, %scan3A_11 : i32
    %scan3A_13 = arith.constant 1 : i32
    %scan3A_14:2 = scf.for %scan3A_16 = %scan3A_10 to %scan3A_12 step %scan3A_13 iter_args(%scan3A_17 = %broadcast_in_dim3A_9, %scan3A_18 = %scan3A) -> (vector<16xi32>, i32)  : i32 {
      %mul3A_19 = arith.constant 2 : i32
      %mul3A_20 = arith.muli %mul3A_19, %scan3A_16 : i32
      %add3A_21 = arith.addi %mul3A_20, %arg0 : i32
      %mul3A_22 = arith.constant 57088 : i32
      %mul3A_23 = arith.muli %add3A_21, %mul3A_22 : i32
      %mul3A_24 = arith.constant 3568 : i32
      %mul3A_25 = arith.muli %arg1, %mul3A_24 : i32
      %mul3A_26 = arith.constant 3568 : i32
      %mul3A_27 = arith.muli %arg1, %mul3A_26 : i32
      "tpu.region"() ({
        %run_scoped3A = tpu.sem_alloc : memref<!tpu.dma_semaphore, #tpu.memory_space<semaphore_mem>>
        %dma_start3A = arith.constant 0 : i32
        %dma_start3A_96 = tpu.memref_slice %arg10[%mul3A_27, %dma_start3A] : memref<57104x32xf32, #tpu.memory_space<vmem_shared>> -> memref<3568x32xf32, #tpu.memory_space<vmem_shared>>
        %dma_start3A_97 = arith.constant 0 : i32
        %dma_start3A_98 = tpu.memref_slice %arg2[%mul3A_25, %dma_start3A_97] : memref<1000000x32xf32, #tpu.memory_space<hbm>> -> memref<3568x32xf32, #tpu.memory_space<hbm>>
        tpu.enqueue_dma source(%dma_start3A_98 : memref<3568x32xf32, #tpu.memory_space<hbm>>) target(%dma_start3A_96 : memref<3568x32xf32, #tpu.memory_space<vmem_shared>>) target_semaphore(%run_scoped3A : memref<!tpu.dma_semaphore, #tpu.memory_space<semaphore_mem>>)
        %dma_wait3A = arith.constant 0 : i32
        %dma_wait3A_99 = tpu.memref_slice %arg10[%mul3A_27, %dma_wait3A] : memref<57104x32xf32, #tpu.memory_space<vmem_shared>> -> memref<3568x32xf32, #tpu.memory_space<vmem_shared>>
        %dma_wait3A_100 = arith.constant 0 : i32
        %dma_wait3A_101 = tpu.memref_slice %arg2[%mul3A_25, %dma_wait3A_100] : memref<1000000x32xf32, #tpu.memory_space<hbm>> -> memref<3568x32xf32, #tpu.memory_space<hbm>>
        tpu.wait_dma2 semaphore(%run_scoped3A : memref<!tpu.dma_semaphore, #tpu.memory_space<semaphore_mem>>) src(%dma_wait3A_101 : memref<3568x32xf32, #tpu.memory_space<hbm>>) dst(%dma_wait3A_99 : memref<3568x32xf32, #tpu.memory_space<vmem_shared>>)
        tpu.yield
      }) : () -> ()
      %barrier3A = arith.constant 0 : index
      tpu.barrier barrier_id(%barrier3A)
      %scan3A_28 = arith.constant 0 : i32
      %scan3A_29 = arith.constant 8 : i32
      %scan3A_30 = arith.addi %scan3A_28, %scan3A_29 : i32
      %scan3A_31 = arith.constant 1 : i32
      %scan3A_32:2 = scf.for %scan3A_96 = %scan3A_28 to %scan3A_30 step %scan3A_31 iter_args(%scan3A_97 = %scan3A_17, %scan3A_98 = %scan3A_18) -> (vector<16xi32>, i32)  : i32 {
        %mul3A_99 = arith.constant 6400 : i32
        %mul3A_100 = arith.muli %scan3A_96, %mul3A_99 : i32
        %add3A_101 = arith.addi %mul3A_8, %mul3A_100 : i32
        %multiple_of3A = tpu.assume_multiple %add3A_101, 128 : i32
        "tpu.region"() ({
          %run_scoped3A = tpu.sem_alloc : memref<!tpu.dma_semaphore, #tpu.memory_space<semaphore_mem>>
          %dma_start3A = tpu.memref_slice %arg3[%multiple_of3A] : memref<819200xi32, #tpu.memory_space<hbm>> -> memref<6400xi32, #tpu.memory_space<hbm>>
          %dma_start3A_108 = tpu.memref_slice %arg3[%multiple_of3A] : memref<819200xi32, #tpu.memory_space<hbm>> -> memref<6400xi32, #tpu.memory_space<hbm>>
          tpu.enqueue_dma source(%dma_start3A_108 : memref<6400xi32, #tpu.memory_space<hbm>>) target(%arg6 : memref<6400xi32, #tpu.memory_space<vmem>>) target_semaphore(%run_scoped3A : memref<!tpu.dma_semaphore, #tpu.memory_space<semaphore_mem>>)
          %dma_wait3A = tpu.memref_slice %arg3[%multiple_of3A] : memref<819200xi32, #tpu.memory_space<hbm>> -> memref<6400xi32, #tpu.memory_space<hbm>>
          %dma_wait3A_109 = tpu.memref_slice %arg3[%multiple_of3A] : memref<819200xi32, #tpu.memory_space<hbm>> -> memref<6400xi32, #tpu.memory_space<hbm>>
          tpu.wait_dma2 semaphore(%run_scoped3A : memref<!tpu.dma_semaphore, #tpu.memory_space<semaphore_mem>>) src(%dma_wait3A_109 : memref<6400xi32, #tpu.memory_space<hbm>>) dst(%arg6 : memref<6400xi32, #tpu.memory_space<vmem>>)
          tpu.yield
        }) : () -> ()
        %scan3A_102 = arith.constant 0 : i32
        %scan3A_103 = arith.constant 25 : i32
        %scan3A_104 = arith.addi %scan3A_102, %scan3A_103 : i32
        %scan3A_105 = arith.constant 1 : i32
        %scan3A_106:2 = scf.for %scan3A_108 = %scan3A_102 to %scan3A_104 step %scan3A_105 iter_args(%scan3A_109 = %scan3A_97, %scan3A_110 = %scan3A_98) -> (vector<16xi32>, i32)  : i32 {
          %mul3A_111 = arith.constant 256 : i32
          %mul3A_112 = arith.muli %scan3A_108, %mul3A_111 : i32
          %scan3A_113 = arith.constant 0 : i32
          %mul3A_114 = arith.constant 16 : i32
          %mul3A_115 = arith.muli %scan3A_113, %mul3A_114 : i32
          %add3A_116 = arith.addi %mul3A_112, %mul3A_115 : i32
          %get3A = arith.index_cast %add3A_116 : i32 to index
          %get3A_117 = tpu.vector_load %arg6[%get3A] {strides = array<i32>} : memref<6400xi32, #tpu.memory_space<vmem>>, vector<16xi32>,
          %sub3A_118 = vector.broadcast %mul3A_23 : i32 to vector<16xi32>
          %sub3A_119 = arith.subi %get3A_117, %sub3A_118 : vector<16xi32>
          %ge3A = arith.constant 0 : i32
          %ge3A_120 = vector.broadcast %ge3A : i32 to vector<16xi32>
          %ge3A_121 = arith.cmpi sge, %sub3A_119, %ge3A_120 : vector<16xi32>
          %lt3A_122 = arith.constant 57088 : i32
          %lt3A_123 = vector.broadcast %lt3A_122 : i32 to vector<16xi32>
          %lt3A_124 = arith.cmpi slt, %sub3A_119, %lt3A_123 : vector<16xi32>
          %and3A_125 = arith.andi %ge3A_121, %lt3A_124 : vector<16xi1>
          %select_n3A_126 = arith.select %and3A_125, %add3A_3, %mul3A_6 : vector<16xi1>, vector<16xi32>
          %broadcast_in_dim3A_127 = arith.constant true
          %broadcast_in_dim3A_128 = vector.broadcast %broadcast_in_dim3A_127 : i1 to vector<16xi1>
          %masked_cumsum3A = tpu.scan <sum>, %select_n3A_126 masked %broadcast_in_dim3A_128 : vector<16xi32>, vector<16xi1> -> vector<16xi32>
          %add3A_129 = arith.addi %scan3A_109, %masked_cumsum3A : vector<16xi32>
          %sub3A_130 = arith.constant 1 : i32
          %sub3A_131 = vector.broadcast %sub3A_130 : i32 to vector<16xi32>
          %sub3A_132 = arith.subi %add3A_129, %sub3A_131 : vector<16xi32>
          %mul3A_133 = arith.constant 6400 : i32
          %mul3A_134 = arith.muli %scan3A_96, %mul3A_133 : i32
          %add3A_135 = arith.addi %mul3A_8, %mul3A_134 : i32
          %add3A_136 = arith.addi %add3A_135, %mul3A_112 : i32
          %mul3A_137 = arith.constant 16 : i32
          %mul3A_138 = arith.muli %scan3A_113, %mul3A_137 : i32
          %add3A_139 = arith.addi %add3A_136, %mul3A_138 : i32
          %add3A_140 = vector.broadcast %add3A_139 : i32 to vector<16xi32>
          %add3A_141 = arith.addi %iota3A, %add3A_140 : vector<16xi32>
          %and3A_142 = arith.constant 1023 : i32
          %and3A_143 = vector.broadcast %and3A_142 : i32 to vector<16xi32>
          %and3A_144 = arith.andi %sub3A_132, %and3A_143 : vector<16xi32>
          tpu.vector_store_idx %arg8[%and3A_144], %add3A_141 masked %and3A_125 : memref<1024xi32, #tpu.memory_space<vmem>>[vector<16xi32>], vector<16xi32>, vector<16xi1>
          %and3A_145 = arith.constant 1023 : i32
          %and3A_146 = vector.broadcast %and3A_145 : i32 to vector<16xi32>
          %and3A_147 = arith.andi %sub3A_132, %and3A_146 : vector<16xi32>
          tpu.vector_store_idx %arg7[%and3A_147], %sub3A_119 masked %and3A_125 : memref<1024xi32, #tpu.memory_space<vmem>>[vector<16xi32>], vector<16xi32>, vector<16xi1>
          %all_reduce_population_count3A = tpu.all_reduce %and3A_125 {dim = 0 : i64, kind = #tpu.reduction_kind<sum>} : vector<16xi1> -> vector<16xi32>
          %add3A_148 = arith.addi %scan3A_109, %all_reduce_population_count3A : vector<16xi32>
          %scan3A_149 = arith.constant 1 : i32
          %mul3A_150 = arith.constant 16 : i32
          %mul3A_151 = arith.muli %scan3A_149, %mul3A_150 : i32
          %add3A_152 = arith.addi %mul3A_112, %mul3A_151 : i32
          %get3A_153 = arith.index_cast %add3A_152 : i32 to index
          %get3A_154 = tpu.vector_load %arg6[%get3A_153] {strides = array<i32>} : memref<6400xi32, #tpu.memory_space<vmem>>, vector<16xi32>,
          %sub3A_155 = vector.broadcast %mul3A_23 : i32 to vector<16xi32>
          %sub3A_156 = arith.subi %get3A_154, %sub3A_155 : vector<16xi32>
          %ge3A_157 = arith.constant 0 : i32
          %ge3A_158 = vector.broadcast %ge3A_157 : i32 to vector<16xi32>
          %ge3A_159 = arith.cmpi sge, %sub3A_156, %ge3A_158 : vector<16xi32>
          %lt3A_160 = arith.constant 57088 : i32
          %lt3A_161 = vector.broadcast %lt3A_160 : i32 to vector<16xi32>
          %lt3A_162 = arith.cmpi slt, %sub3A_156, %lt3A_161 : vector<16xi32>
          %and3A_163 = arith.andi %ge3A_159, %lt3A_162 : vector<16xi1>
          %select_n3A_164 = arith.select %and3A_163, %add3A_3, %mul3A_6 : vector<16xi1>, vector<16xi32>
          %broadcast_in_dim3A_165 = arith.constant true
          %broadcast_in_dim3A_166 = vector.broadcast %broadcast_in_dim3A_165 : i1 to vector<16xi1>
          %masked_cumsum3A_167 = tpu.scan <sum>, %select_n3A_164 masked %broadcast_in_dim3A_166 : vector<16xi32>, vector<16xi1> -> vector<16xi32>
          %add3A_168 = arith.addi %add3A_148, %masked_cumsum3A_167 : vector<16xi32>
          %sub3A_169 = arith.constant 1 : i32
          %sub3A_170 = vector.broadcast %sub3A_169 : i32 to vector<16xi32>
          %sub3A_171 = arith.subi %add3A_168, %sub3A_170 : vector<16xi32>
          %mul3A_172 = arith.constant 6400 : i32
          %mul3A_173 = arith.muli %scan3A_96, %mul3A_172 : i32
          %add3A_174 = arith.addi %mul3A_8, %mul3A_173 : i32
          %add3A_175 = arith.addi %add3A_174, %mul3A_112 : i32
          %mul3A_176 = arith.constant 16 : i32
          %mul3A_177 = arith.muli %scan3A_149, %mul3A_176 : i32
          %add3A_178 = arith.addi %add3A_175, %mul3A_177 : i32
          %add3A_179 = vector.broadcast %add3A_178 : i32 to vector<16xi32>
          %add3A_180 = arith.addi %iota3A, %add3A_179 : vector<16xi32>
          %and3A_181 = arith.constant 1023 : i32
          %and3A_182 = vector.broadcast %and3A_181 : i32 to vector<16xi32>
          %and3A_183 = arith.andi %sub3A_171, %and3A_182 : vector<16xi32>
          tpu.vector_store_idx %arg8[%and3A_183], %add3A_180 masked %and3A_163 : memref<1024xi32, #tpu.memory_space<vmem>>[vector<16xi32>], vector<16xi32>, vector<16xi1>
          %and3A_184 = arith.constant 1023 : i32
          %and3A_185 = vector.broadcast %and3A_184 : i32 to vector<16xi32>
          %and3A_186 = arith.andi %sub3A_171, %and3A_185 : vector<16xi32>
          tpu.vector_store_idx %arg7[%and3A_186], %sub3A_156 masked %and3A_163 : memref<1024xi32, #tpu.memory_space<vmem>>[vector<16xi32>], vector<16xi32>, vector<16xi1>
          %all_reduce_population_count3A_187 = tpu.all_reduce %and3A_163 {dim = 0 : i64, kind = #tpu.reduction_kind<sum>} : vector<16xi1> -> vector<16xi32>
          %add3A_188 = arith.addi %add3A_148, %all_reduce_population_count3A_187 : vector<16xi32>
          %scan3A_189 = arith.constant 2 : i32
          %mul3A_190 = arith.constant 16 : i32
          %mul3A_191 = arith.muli %scan3A_189, %mul3A_190 : i32
          %add3A_192 = arith.addi %mul3A_112, %mul3A_191 : i32
          %get3A_193 = arith.index_cast %add3A_192 : i32 to index
          %get3A_194 = tpu.vector_load %arg6[%get3A_193] {strides = array<i32>} : memref<6400xi32, #tpu.memory_space<vmem>>, vector<16xi32>,
          %sub3A_195 = vector.broadcast %mul3A_23 : i32 to vector<16xi32>
          %sub3A_196 = arith.subi %get3A_194, %sub3A_195 : vector<16xi32>
          %ge3A_197 = arith.constant 0 : i32
          %ge3A_198 = vector.broadcast %ge3A_197 : i32 to vector<16xi32>
          %ge3A_199 = arith.cmpi sge, %sub3A_196, %ge3A_198 : vector<16xi32>
          %lt3A_200 = arith.constant 57088 : i32
          %lt3A_201 = vector.broadcast %lt3A_200 : i32 to vector<16xi32>
          %lt3A_202 = arith.cmpi slt, %sub3A_196, %lt3A_201 : vector<16xi32>
          %and3A_203 = arith.andi %ge3A_199, %lt3A_202 : vector<16xi1>
          %select_n3A_204 = arith.select %and3A_203, %add3A_3, %mul3A_6 : vector<16xi1>, vector<16xi32>
          %broadcast_in_dim3A_205 = arith.constant true
          %broadcast_in_dim3A_206 = vector.broadcast %broadcast_in_dim3A_205 : i1 to vector<16xi1>
          %masked_cumsum3A_207 = tpu.scan <sum>, %select_n3A_204 masked %broadcast_in_dim3A_206 : vector<16xi32>, vector<16xi1> -> vector<16xi32>
          %add3A_208 = arith.addi %add3A_188, %masked_cumsum3A_207 : vector<16xi32>
          %sub3A_209 = arith.constant 1 : i32
          %sub3A_210 = vector.broadcast %sub3A_209 : i32 to vector<16xi32>
          %sub3A_211 = arith.subi %add3A_208, %sub3A_210 : vector<16xi32>
          %mul3A_212 = arith.constant 6400 : i32
          %mul3A_213 = arith.muli %scan3A_96, %mul3A_212 : i32
          %add3A_214 = arith.addi %mul3A_8, %mul3A_213 : i32
          %add3A_215 = arith.addi %add3A_214, %mul3A_112 : i32
          %mul3A_216 = arith.constant 16 : i32
          %mul3A_217 = arith.muli %scan3A_189, %mul3A_216 : i32
          %add3A_218 = arith.addi %add3A_215, %mul3A_217 : i32
          %add3A_219 = vector.broadcast %add3A_218 : i32 to vector<16xi32>
          %add3A_220 = arith.addi %iota3A, %add3A_219 : vector<16xi32>
          %and3A_221 = arith.constant 1023 : i32
          %and3A_222 = vector.broadcast %and3A_221 : i32 to vector<16xi32>
          %and3A_223 = arith.andi %sub3A_211, %and3A_222 : vector<16xi32>
          tpu.vector_store_idx %arg8[%and3A_223], %add3A_220 masked %and3A_203 : memref<1024xi32, #tpu.memory_space<vmem>>[vector<16xi32>], vector<16xi32>, vector<16xi1>
          %and3A_224 = arith.constant 1023 : i32
          %and3A_225 = vector.broadcast %and3A_224 : i32 to vector<16xi32>
          %and3A_226 = arith.andi %sub3A_211, %and3A_225 : vector<16xi32>
          tpu.vector_store_idx %arg7[%and3A_226], %sub3A_196 masked %and3A_203 : memref<1024xi32, #tpu.memory_space<vmem>>[vector<16xi32>], vector<16xi32>, vector<16xi1>
          %all_reduce_population_count3A_227 = tpu.all_reduce %and3A_203 {dim = 0 : i64, kind = #tpu.reduction_kind<sum>} : vector<16xi1> -> vector<16xi32>
          %add3A_228 = arith.addi %add3A_188, %all_reduce_population_count3A_227 : vector<16xi32>
          %scan3A_229 = arith.constant 3 : i32
          %mul3A_230 = arith.constant 16 : i32
          %mul3A_231 = arith.muli %scan3A_229, %mul3A_230 : i32
          %add3A_232 = arith.addi %mul3A_112, %mul3A_231 : i32
          %get3A_233 = arith.index_cast %add3A_232 : i32 to index
          %get3A_234 = tpu.vector_load %arg6[%get3A_233] {strides = array<i32>} : memref<6400xi32, #tpu.memory_space<vmem>>, vector<16xi32>,
          %sub3A_235 = vector.broadcast %mul3A_23 : i32 to vector<16xi32>
          %sub3A_236 = arith.subi %get3A_234, %sub3A_235 : vector<16xi32>
          %ge3A_237 = arith.constant 0 : i32
          %ge3A_238 = vector.broadcast %ge3A_237 : i32 to vector<16xi32>
          %ge3A_239 = arith.cmpi sge, %sub3A_236, %ge3A_238 : vector<16xi32>
          %lt3A_240 = arith.constant 57088 : i32
          %lt3A_241 = vector.broadcast %lt3A_240 : i32 to vector<16xi32>
          %lt3A_242 = arith.cmpi slt, %sub3A_236, %lt3A_241 : vector<16xi32>
          %and3A_243 = arith.andi %ge3A_239, %lt3A_242 : vector<16xi1>
          %select_n3A_244 = arith.select %and3A_243, %add3A_3, %mul3A_6 : vector<16xi1>, vector<16xi32>
          %broadcast_in_dim3A_245 = arith.constant true
          %broadcast_in_dim3A_246 = vector.broadcast %broadcast_in_dim3A_245 : i1 to vector<16xi1>
          %masked_cumsum3A_247 = tpu.scan <sum>, %select_n3A_244 masked %broadcast_in_dim3A_246 : vector<16xi32>, vector<16xi1> -> vector<16xi32>
          %add3A_248 = arith.addi %add3A_228, %masked_cumsum3A_247 : vector<16xi32>
          %sub3A_249 = arith.constant 1 : i32
          %sub3A_250 = vector.broadcast %sub3A_249 : i32 to vector<16xi32>
          %sub3A_251 = arith.subi %add3A_248, %sub3A_250 : vector<16xi32>
          %mul3A_252 = arith.constant 6400 : i32
          %mul3A_253 = arith.muli %scan3A_96, %mul3A_252 : i32
          %add3A_254 = arith.addi %mul3A_8, %mul3A_253 : i32
          %add3A_255 = arith.addi %add3A_254, %mul3A_112 : i32
          %mul3A_256 = arith.constant 16 : i32
          %mul3A_257 = arith.muli %scan3A_229, %mul3A_256 : i32
          %add3A_258 = arith.addi %add3A_255, %mul3A_257 : i32
          %add3A_259 = vector.broadcast %add3A_258 : i32 to vector<16xi32>
          %add3A_260 = arith.addi %iota3A, %add3A_259 : vector<16xi32>
          %and3A_261 = arith.constant 1023 : i32
          %and3A_262 = vector.broadcast %and3A_261 : i32 to vector<16xi32>
          %and3A_263 = arith.andi %sub3A_251, %and3A_262 : vector<16xi32>
          tpu.vector_store_idx %arg8[%and3A_263], %add3A_260 masked %and3A_243 : memref<1024xi32, #tpu.memory_space<vmem>>[vector<16xi32>], vector<16xi32>, vector<16xi1>
          %and3A_264 = arith.constant 1023 : i32
          %and3A_265 = vector.broadcast %and3A_264 : i32 to vector<16xi32>
          %and3A_266 = arith.andi %sub3A_251, %and3A_265 : vector<16xi32>
          tpu.vector_store_idx %arg7[%and3A_266], %sub3A_236 masked %and3A_243 : memref<1024xi32, #tpu.memory_space<vmem>>[vector<16xi32>], vector<16xi32>, vector<16xi1>
          %all_reduce_population_count3A_267 = tpu.all_reduce %and3A_243 {dim = 0 : i64, kind = #tpu.reduction_kind<sum>} : vector<16xi1> -> vector<16xi32>
          %add3A_268 = arith.addi %add3A_228, %all_reduce_population_count3A_267 : vector<16xi32>
          %scan3A_269 = arith.constant 4 : i32
          %mul3A_270 = arith.constant 16 : i32
          %mul3A_271 = arith.muli %scan3A_269, %mul3A_270 : i32
          %add3A_272 = arith.addi %mul3A_112, %mul3A_271 : i32
          %get3A_273 = arith.index_cast %add3A_272 : i32 to index
          %get3A_274 = tpu.vector_load %arg6[%get3A_273] {strides = array<i32>} : memref<6400xi32, #tpu.memory_space<vmem>>, vector<16xi32>,
          %sub3A_275 = vector.broadcast %mul3A_23 : i32 to vector<16xi32>
          %sub3A_276 = arith.subi %get3A_274, %sub3A_275 : vector<16xi32>
          %ge3A_277 = arith.constant 0 : i32
          %ge3A_278 = vector.broadcast %ge3A_277 : i32 to vector<16xi32>
          %ge3A_279 = arith.cmpi sge, %sub3A_276, %ge3A_278 : vector<16xi32>
          %lt3A_280 = arith.constant 57088 : i32
          %lt3A_281 = vector.broadcast %lt3A_280 : i32 to vector<16xi32>
          %lt3A_282 = arith.cmpi slt, %sub3A_276, %lt3A_281 : vector<16xi32>
          %and3A_283 = arith.andi %ge3A_279, %lt3A_282 : vector<16xi1>
          %select_n3A_284 = arith.select %and3A_283, %add3A_3, %mul3A_6 : vector<16xi1>, vector<16xi32>
          %broadcast_in_dim3A_285 = arith.constant true
          %broadcast_in_dim3A_286 = vector.broadcast %broadcast_in_dim3A_285 : i1 to vector<16xi1>
          %masked_cumsum3A_287 = tpu.scan <sum>, %select_n3A_284 masked %broadcast_in_dim3A_286 : vector<16xi32>, vector<16xi1> -> vector<16xi32>
          %add3A_288 = arith.addi %add3A_268, %masked_cumsum3A_287 : vector<16xi32>
          %sub3A_289 = arith.constant 1 : i32
          %sub3A_290 = vector.broadcast %sub3A_289 : i32 to vector<16xi32>
          %sub3A_291 = arith.subi %add3A_288, %sub3A_290 : vector<16xi32>
          %mul3A_292 = arith.constant 6400 : i32
          %mul3A_293 = arith.muli %scan3A_96, %mul3A_292 : i32
          %add3A_294 = arith.addi %mul3A_8, %mul3A_293 : i32
          %add3A_295 = arith.addi %add3A_294, %mul3A_112 : i32
          %mul3A_296 = arith.constant 16 : i32
          %mul3A_297 = arith.muli %scan3A_269, %mul3A_296 : i32
          %add3A_298 = arith.addi %add3A_295, %mul3A_297 : i32
          %add3A_299 = vector.broadcast %add3A_298 : i32 to vector<16xi32>
          %add3A_300 = arith.addi %iota3A, %add3A_299 : vector<16xi32>
          %and3A_301 = arith.constant 1023 : i32
          %and3A_302 = vector.broadcast %and3A_301 : i32 to vector<16xi32>
          %and3A_303 = arith.andi %sub3A_291, %and3A_302 : vector<16xi32>
          tpu.vector_store_idx %arg8[%and3A_303], %add3A_300 masked %and3A_283 : memref<1024xi32, #tpu.memory_space<vmem>>[vector<16xi32>], vector<16xi32>, vector<16xi1>
          %and3A_304 = arith.constant 1023 : i32
          %and3A_305 = vector.broadcast %and3A_304 : i32 to vector<16xi32>
          %and3A_306 = arith.andi %sub3A_291, %and3A_305 : vector<16xi32>
          tpu.vector_store_idx %arg7[%and3A_306], %sub3A_276 masked %and3A_283 : memref<1024xi32, #tpu.memory_space<vmem>>[vector<16xi32>], vector<16xi32>, vector<16xi1>
          %all_reduce_population_count3A_307 = tpu.all_reduce %and3A_283 {dim = 0 : i64, kind = #tpu.reduction_kind<sum>} : vector<16xi1> -> vector<16xi32>
          %add3A_308 = arith.addi %add3A_268, %all_reduce_population_count3A_307 : vector<16xi32>
          %scan3A_309 = arith.constant 5 : i32
          %mul3A_310 = arith.constant 16 : i32
          %mul3A_311 = arith.muli %scan3A_309, %mul3A_310 : i32
          %add3A_312 = arith.addi %mul3A_112, %mul3A_311 : i32
          %get3A_313 = arith.index_cast %add3A_312 : i32 to index
          %get3A_314 = tpu.vector_load %arg6[%get3A_313] {strides = array<i32>} : memref<6400xi32, #tpu.memory_space<vmem>>, vector<16xi32>,
          %sub3A_315 = vector.broadcast %mul3A_23 : i32 to vector<16xi32>
          %sub3A_316 = arith.subi %get3A_314, %sub3A_315 : vector<16xi32>
          %ge3A_317 = arith.constant 0 : i32
          %ge3A_318 = vector.broadcast %ge3A_317 : i32 to vector<16xi32>
          %ge3A_319 = arith.cmpi sge, %sub3A_316, %ge3A_318 : vector<16xi32>
          %lt3A_320 = arith.constant 57088 : i32
          %lt3A_321 = vector.broadcast %lt3A_320 : i32 to vector<16xi32>
          %lt3A_322 = arith.cmpi slt, %sub3A_316, %lt3A_321 : vector<16xi32>
          %and3A_323 = arith.andi %ge3A_319, %lt3A_322 : vector<16xi1>
          %select_n3A_324 = arith.select %and3A_323, %add3A_3, %mul3A_6 : vector<16xi1>, vector<16xi32>
          %broadcast_in_dim3A_325 = arith.constant true
          %broadcast_in_dim3A_326 = vector.broadcast %broadcast_in_dim3A_325 : i1 to vector<16xi1>
          %masked_cumsum3A_327 = tpu.scan <sum>, %select_n3A_324 masked %broadcast_in_dim3A_326 : vector<16xi32>, vector<16xi1> -> vector<16xi32>
          %add3A_328 = arith.addi %add3A_308, %masked_cumsum3A_327 : vector<16xi32>
          %sub3A_329 = arith.constant 1 : i32
          %sub3A_330 = vector.broadcast %sub3A_329 : i32 to vector<16xi32>
          %sub3A_331 = arith.subi %add3A_328, %sub3A_330 : vector<16xi32>
          %mul3A_332 = arith.constant 6400 : i32
          %mul3A_333 = arith.muli %scan3A_96, %mul3A_332 : i32
          %add3A_334 = arith.addi %mul3A_8, %mul3A_333 : i32
          %add3A_335 = arith.addi %add3A_334, %mul3A_112 : i32
          %mul3A_336 = arith.constant 16 : i32
          %mul3A_337 = arith.muli %scan3A_309, %mul3A_336 : i32
          %add3A_338 = arith.addi %add3A_335, %mul3A_337 : i32
          %add3A_339 = vector.broadcast %add3A_338 : i32 to vector<16xi32>
          %add3A_340 = arith.addi %iota3A, %add3A_339 : vector<16xi32>
          %and3A_341 = arith.constant 1023 : i32
          %and3A_342 = vector.broadcast %and3A_341 : i32 to vector<16xi32>
          %and3A_343 = arith.andi %sub3A_331, %and3A_342 : vector<16xi32>
          tpu.vector_store_idx %arg8[%and3A_343], %add3A_340 masked %and3A_323 : memref<1024xi32, #tpu.memory_space<vmem>>[vector<16xi32>], vector<16xi32>, vector<16xi1>
          %and3A_344 = arith.constant 1023 : i32
          %and3A_345 = vector.broadcast %and3A_344 : i32 to vector<16xi32>
          %and3A_346 = arith.andi %sub3A_331, %and3A_345 : vector<16xi32>
          tpu.vector_store_idx %arg7[%and3A_346], %sub3A_316 masked %and3A_323 : memref<1024xi32, #tpu.memory_space<vmem>>[vector<16xi32>], vector<16xi32>, vector<16xi1>
          %all_reduce_population_count3A_347 = tpu.all_reduce %and3A_323 {dim = 0 : i64, kind = #tpu.reduction_kind<sum>} : vector<16xi1> -> vector<16xi32>
          %add3A_348 = arith.addi %add3A_308, %all_reduce_population_count3A_347 : vector<16xi32>
          %scan3A_349 = arith.constant 6 : i32
          %mul3A_350 = arith.constant 16 : i32
          %mul3A_351 = arith.muli %scan3A_349, %mul3A_350 : i32
          %add3A_352 = arith.addi %mul3A_112, %mul3A_351 : i32
          %get3A_353 = arith.index_cast %add3A_352 : i32 to index
          %get3A_354 = tpu.vector_load %arg6[%get3A_353] {strides = array<i32>} : memref<6400xi32, #tpu.memory_space<vmem>>, vector<16xi32>,
          %sub3A_355 = vector.broadcast %mul3A_23 : i32 to vector<16xi32>
          %sub3A_356 = arith.subi %get3A_354, %sub3A_355 : vector<16xi32>
          %ge3A_357 = arith.constant 0 : i32
          %ge3A_358 = vector.broadcast %ge3A_357 : i32 to vector<16xi32>
          %ge3A_359 = arith.cmpi sge, %sub3A_356, %ge3A_358 : vector<16xi32>
          %lt3A_360 = arith.constant 57088 : i32
          %lt3A_361 = vector.broadcast %lt3A_360 : i32 to vector<16xi32>
          %lt3A_362 = arith.cmpi slt, %sub3A_356, %lt3A_361 : vector<16xi32>
          %and3A_363 = arith.andi %ge3A_359, %lt3A_362 : vector<16xi1>
          %select_n3A_364 = arith.select %and3A_363, %add3A_3, %mul3A_6 : vector<16xi1>, vector<16xi32>
          %broadcast_in_dim3A_365 = arith.constant true
          %broadcast_in_dim3A_366 = vector.broadcast %broadcast_in_dim3A_365 : i1 to vector<16xi1>
          %masked_cumsum3A_367 = tpu.scan <sum>, %select_n3A_364 masked %broadcast_in_dim3A_366 : vector<16xi32>, vector<16xi1> -> vector<16xi32>
          %add3A_368 = arith.addi %add3A_348, %masked_cumsum3A_367 : vector<16xi32>
          %sub3A_369 = arith.constant 1 : i32
          %sub3A_370 = vector.broadcast %sub3A_369 : i32 to vector<16xi32>
          %sub3A_371 = arith.subi %add3A_368, %sub3A_370 : vector<16xi32>
          %mul3A_372 = arith.constant 6400 : i32
          %mul3A_373 = arith.muli %scan3A_96, %mul3A_372 : i32
          %add3A_374 = arith.addi %mul3A_8, %mul3A_373 : i32
          %add3A_375 = arith.addi %add3A_374, %mul3A_112 : i32
          %mul3A_376 = arith.constant 16 : i32
          %mul3A_377 = arith.muli %scan3A_349, %mul3A_376 : i32
          %add3A_378 = arith.addi %add3A_375, %mul3A_377 : i32
          %add3A_379 = vector.broadcast %add3A_378 : i32 to vector<16xi32>
          %add3A_380 = arith.addi %iota3A, %add3A_379 : vector<16xi32>
          %and3A_381 = arith.constant 1023 : i32
          %and3A_382 = vector.broadcast %and3A_381 : i32 to vector<16xi32>
          %and3A_383 = arith.andi %sub3A_371, %and3A_382 : vector<16xi32>
          tpu.vector_store_idx %arg8[%and3A_383], %add3A_380 masked %and3A_363 : memref<1024xi32, #tpu.memory_space<vmem>>[vector<16xi32>], vector<16xi32>, vector<16xi1>
          %and3A_384 = arith.constant 1023 : i32
          %and3A_385 = vector.broadcast %and3A_384 : i32 to vector<16xi32>
          %and3A_386 = arith.andi %sub3A_371, %and3A_385 : vector<16xi32>
          tpu.vector_store_idx %arg7[%and3A_386], %sub3A_356 masked %and3A_363 : memref<1024xi32, #tpu.memory_space<vmem>>[vector<16xi32>], vector<16xi32>, vector<16xi1>
          %all_reduce_population_count3A_387 = tpu.all_reduce %and3A_363 {dim = 0 : i64, kind = #tpu.reduction_kind<sum>} : vector<16xi1> -> vector<16xi32>
          %add3A_388 = arith.addi %add3A_348, %all_reduce_population_count3A_387 : vector<16xi32>
          %scan3A_389 = arith.constant 7 : i32
          %mul3A_390 = arith.constant 16 : i32
          %mul3A_391 = arith.muli %scan3A_389, %mul3A_390 : i32
          %add3A_392 = arith.addi %mul3A_112, %mul3A_391 : i32
          %get3A_393 = arith.index_cast %add3A_392 : i32 to index
          %get3A_394 = tpu.vector_load %arg6[%get3A_393] {strides = array<i32>} : memref<6400xi32, #tpu.memory_space<vmem>>, vector<16xi32>,
          %sub3A_395 = vector.broadcast %mul3A_23 : i32 to vector<16xi32>
          %sub3A_396 = arith.subi %get3A_394, %sub3A_395 : vector<16xi32>
          %ge3A_397 = arith.constant 0 : i32
          %ge3A_398 = vector.broadcast %ge3A_397 : i32 to vector<16xi32>
          %ge3A_399 = arith.cmpi sge, %sub3A_396, %ge3A_398 : vector<16xi32>
          %lt3A_400 = arith.constant 57088 : i32
          %lt3A_401 = vector.broadcast %lt3A_400 : i32 to vector<16xi32>
          %lt3A_402 = arith.cmpi slt, %sub3A_396, %lt3A_401 : vector<16xi32>
          %and3A_403 = arith.andi %ge3A_399, %lt3A_402 : vector<16xi1>
          %select_n3A_404 = arith.select %and3A_403, %add3A_3, %mul3A_6 : vector<16xi1>, vector<16xi32>
          %broadcast_in_dim3A_405 = arith.constant true
          %broadcast_in_dim3A_406 = vector.broadcast %broadcast_in_dim3A_405 : i1 to vector<16xi1>
          %masked_cumsum3A_407 = tpu.scan <sum>, %select_n3A_404 masked %broadcast_in_dim3A_406 : vector<16xi32>, vector<16xi1> -> vector<16xi32>
          %add3A_408 = arith.addi %add3A_388, %masked_cumsum3A_407 : vector<16xi32>
          %sub3A_409 = arith.constant 1 : i32
          %sub3A_410 = vector.broadcast %sub3A_409 : i32 to vector<16xi32>
          %sub3A_411 = arith.subi %add3A_408, %sub3A_410 : vector<16xi32>
          %mul3A_412 = arith.constant 6400 : i32
          %mul3A_413 = arith.muli %scan3A_96, %mul3A_412 : i32
          %add3A_414 = arith.addi %mul3A_8, %mul3A_413 : i32
          %add3A_415 = arith.addi %add3A_414, %mul3A_112 : i32
          %mul3A_416 = arith.constant 16 : i32
          %mul3A_417 = arith.muli %scan3A_389, %mul3A_416 : i32
          %add3A_418 = arith.addi %add3A_415, %mul3A_417 : i32
          %add3A_419 = vector.broadcast %add3A_418 : i32 to vector<16xi32>
          %add3A_420 = arith.addi %iota3A, %add3A_419 : vector<16xi32>
          %and3A_421 = arith.constant 1023 : i32
          %and3A_422 = vector.broadcast %and3A_421 : i32 to vector<16xi32>
          %and3A_423 = arith.andi %sub3A_411, %and3A_422 : vector<16xi32>
          tpu.vector_store_idx %arg8[%and3A_423], %add3A_420 masked %and3A_403 : memref<1024xi32, #tpu.memory_space<vmem>>[vector<16xi32>], vector<16xi32>, vector<16xi1>
          %and3A_424 = arith.constant 1023 : i32
          %and3A_425 = vector.broadcast %and3A_424 : i32 to vector<16xi32>
          %and3A_426 = arith.andi %sub3A_411, %and3A_425 : vector<16xi32>
          tpu.vector_store_idx %arg7[%and3A_426], %sub3A_396 masked %and3A_403 : memref<1024xi32, #tpu.memory_space<vmem>>[vector<16xi32>], vector<16xi32>, vector<16xi1>
          %all_reduce_population_count3A_427 = tpu.all_reduce %and3A_403 {dim = 0 : i64, kind = #tpu.reduction_kind<sum>} : vector<16xi1> -> vector<16xi32>
          %add3A_428 = arith.addi %add3A_388, %all_reduce_population_count3A_427 : vector<16xi32>
          %scan3A_429 = arith.constant 8 : i32
          %mul3A_430 = arith.constant 16 : i32
          %mul3A_431 = arith.muli %scan3A_429, %mul3A_430 : i32
          %add3A_432 = arith.addi %mul3A_112, %mul3A_431 : i32
          %get3A_433 = arith.index_cast %add3A_432 : i32 to index
          %get3A_434 = tpu.vector_load %arg6[%get3A_433] {strides = array<i32>} : memref<6400xi32, #tpu.memory_space<vmem>>, vector<16xi32>,
          %sub3A_435 = vector.broadcast %mul3A_23 : i32 to vector<16xi32>
          %sub3A_436 = arith.subi %get3A_434, %sub3A_435 : vector<16xi32>
          %ge3A_437 = arith.constant 0 : i32
          %ge3A_438 = vector.broadcast %ge3A_437 : i32 to vector<16xi32>
          %ge3A_439 = arith.cmpi sge, %sub3A_436, %ge3A_438 : vector<16xi32>
          %lt3A_440 = arith.constant 57088 : i32
          %lt3A_441 = vector.broadcast %lt3A_440 : i32 to vector<16xi32>
          %lt3A_442 = arith.cmpi slt, %sub3A_436, %lt3A_441 : vector<16xi32>
          %and3A_443 = arith.andi %ge3A_439, %lt3A_442 : vector<16xi1>
          %select_n3A_444 = arith.select %and3A_443, %add3A_3, %mul3A_6 : vector<16xi1>, vector<16xi32>
          %broadcast_in_dim3A_445 = arith.constant true
          %broadcast_in_dim3A_446 = vector.broadcast %broadcast_in_dim3A_445 : i1 to vector<16xi1>
          %masked_cumsum3A_447 = tpu.scan <sum>, %select_n3A_444 masked %broadcast_in_dim3A_446 : vector<16xi32>, vector<16xi1> -> vector<16xi32>
          %add3A_448 = arith.addi %add3A_428, %masked_cumsum3A_447 : vector<16xi32>
          %sub3A_449 = arith.constant 1 : i32
          %sub3A_450 = vector.broadcast %sub3A_449 : i32 to vector<16xi32>
          %sub3A_451 = arith.subi %add3A_448, %sub3A_450 : vector<16xi32>
          %mul3A_452 = arith.constant 6400 : i32
          %mul3A_453 = arith.muli %scan3A_96, %mul3A_452 : i32
          %add3A_454 = arith.addi %mul3A_8, %mul3A_453 : i32
          %add3A_455 = arith.addi %add3A_454, %mul3A_112 : i32
          %mul3A_456 = arith.constant 16 : i32
          %mul3A_457 = arith.muli %scan3A_429, %mul3A_456 : i32
          %add3A_458 = arith.addi %add3A_455, %mul3A_457 : i32
          %add3A_459 = vector.broadcast %add3A_458 : i32 to vector<16xi32>
          %add3A_460 = arith.addi %iota3A, %add3A_459 : vector<16xi32>
          %and3A_461 = arith.constant 1023 : i32
          %and3A_462 = vector.broadcast %and3A_461 : i32 to vector<16xi32>
          %and3A_463 = arith.andi %sub3A_451, %and3A_462 : vector<16xi32>
          tpu.vector_store_idx %arg8[%and3A_463], %add3A_460 masked %and3A_443 : memref<1024xi32, #tpu.memory_space<vmem>>[vector<16xi32>], vector<16xi32>, vector<16xi1>
          %and3A_464 = arith.constant 1023 : i32
          %and3A_465 = vector.broadcast %and3A_464 : i32 to vector<16xi32>
          %and3A_466 = arith.andi %sub3A_451, %and3A_465 : vector<16xi32>
          tpu.vector_store_idx %arg7[%and3A_466], %sub3A_436 masked %and3A_443 : memref<1024xi32, #tpu.memory_space<vmem>>[vector<16xi32>], vector<16xi32>, vector<16xi1>
          %all_reduce_population_count3A_467 = tpu.all_reduce %and3A_443 {dim = 0 : i64, kind = #tpu.reduction_kind<sum>} : vector<16xi1> -> vector<16xi32>
          %add3A_468 = arith.addi %add3A_428, %all_reduce_population_count3A_467 : vector<16xi32>
          %scan3A_469 = arith.constant 9 : i32
          %mul3A_470 = arith.constant 16 : i32
          %mul3A_471 = arith.muli %scan3A_469, %mul3A_470 : i32
          %add3A_472 = arith.addi %mul3A_112, %mul3A_471 : i32
          %get3A_473 = arith.index_cast %add3A_472 : i32 to index
          %get3A_474 = tpu.vector_load %arg6[%get3A_473] {strides = array<i32>} : memref<6400xi32, #tpu.memory_space<vmem>>, vector<16xi32>,
          %sub3A_475 = vector.broadcast %mul3A_23 : i32 to vector<16xi32>
          %sub3A_476 = arith.subi %get3A_474, %sub3A_475 : vector<16xi32>
          %ge3A_477 = arith.constant 0 : i32
          %ge3A_478 = vector.broadcast %ge3A_477 : i32 to vector<16xi32>
          %ge3A_479 = arith.cmpi sge, %sub3A_476, %ge3A_478 : vector<16xi32>
          %lt3A_480 = arith.constant 57088 : i32
          %lt3A_481 = vector.broadcast %lt3A_480 : i32 to vector<16xi32>
          %lt3A_482 = arith.cmpi slt, %sub3A_476, %lt3A_481 : vector<16xi32>
          %and3A_483 = arith.andi %ge3A_479, %lt3A_482 : vector<16xi1>
          %select_n3A_484 = arith.select %and3A_483, %add3A_3, %mul3A_6 : vector<16xi1>, vector<16xi32>
          %broadcast_in_dim3A_485 = arith.constant true
          %broadcast_in_dim3A_486 = vector.broadcast %broadcast_in_dim3A_485 : i1 to vector<16xi1>
          %masked_cumsum3A_487 = tpu.scan <sum>, %select_n3A_484 masked %broadcast_in_dim3A_486 : vector<16xi32>, vector<16xi1> -> vector<16xi32>
          %add3A_488 = arith.addi %add3A_468, %masked_cumsum3A_487 : vector<16xi32>
          %sub3A_489 = arith.constant 1 : i32
          %sub3A_490 = vector.broadcast %sub3A_489 : i32 to vector<16xi32>
          %sub3A_491 = arith.subi %add3A_488, %sub3A_490 : vector<16xi32>
          %mul3A_492 = arith.constant 6400 : i32
          %mul3A_493 = arith.muli %scan3A_96, %mul3A_492 : i32
          %add3A_494 = arith.addi %mul3A_8, %mul3A_493 : i32
          %add3A_495 = arith.addi %add3A_494, %mul3A_112 : i32
          %mul3A_496 = arith.constant 16 : i32
          %mul3A_497 = arith.muli %scan3A_469, %mul3A_496 : i32
          %add3A_498 = arith.addi %add3A_495, %mul3A_497 : i32
          %add3A_499 = vector.broadcast %add3A_498 : i32 to vector<16xi32>
          %add3A_500 = arith.addi %iota3A, %add3A_499 : vector<16xi32>
          %and3A_501 = arith.constant 1023 : i32
          %and3A_502 = vector.broadcast %and3A_501 : i32 to vector<16xi32>
          %and3A_503 = arith.andi %sub3A_491, %and3A_502 : vector<16xi32>
          tpu.vector_store_idx %arg8[%and3A_503], %add3A_500 masked %and3A_483 : memref<1024xi32, #tpu.memory_space<vmem>>[vector<16xi32>], vector<16xi32>, vector<16xi1>
          %and3A_504 = arith.constant 1023 : i32
          %and3A_505 = vector.broadcast %and3A_504 : i32 to vector<16xi32>
          %and3A_506 = arith.andi %sub3A_491, %and3A_505 : vector<16xi32>
          tpu.vector_store_idx %arg7[%and3A_506], %sub3A_476 masked %and3A_483 : memref<1024xi32, #tpu.memory_space<vmem>>[vector<16xi32>], vector<16xi32>, vector<16xi1>
          %all_reduce_population_count3A_507 = tpu.all_reduce %and3A_483 {dim = 0 : i64, kind = #tpu.reduction_kind<sum>} : vector<16xi1> -> vector<16xi32>
          %add3A_508 = arith.addi %add3A_468, %all_reduce_population_count3A_507 : vector<16xi32>
          %scan3A_509 = arith.constant 10 : i32
          %mul3A_510 = arith.constant 16 : i32
          %mul3A_511 = arith.muli %scan3A_509, %mul3A_510 : i32
          %add3A_512 = arith.addi %mul3A_112, %mul3A_511 : i32
          %get3A_513 = arith.index_cast %add3A_512 : i32 to index
          %get3A_514 = tpu.vector_load %arg6[%get3A_513] {strides = array<i32>} : memref<6400xi32, #tpu.memory_space<vmem>>, vector<16xi32>,
          %sub3A_515 = vector.broadcast %mul3A_23 : i32 to vector<16xi32>
          %sub3A_516 = arith.subi %get3A_514, %sub3A_515 : vector<16xi32>
          %ge3A_517 = arith.constant 0 : i32
          %ge3A_518 = vector.broadcast %ge3A_517 : i32 to vector<16xi32>
          %ge3A_519 = arith.cmpi sge, %sub3A_516, %ge3A_518 : vector<16xi32>
          %lt3A_520 = arith.constant 57088 : i32
          %lt3A_521 = vector.broadcast %lt3A_520 : i32 to vector<16xi32>
          %lt3A_522 = arith.cmpi slt, %sub3A_516, %lt3A_521 : vector<16xi32>
          %and3A_523 = arith.andi %ge3A_519, %lt3A_522 : vector<16xi1>
          %select_n3A_524 = arith.select %and3A_523, %add3A_3, %mul3A_6 : vector<16xi1>, vector<16xi32>
          %broadcast_in_dim3A_525 = arith.constant true
          %broadcast_in_dim3A_526 = vector.broadcast %broadcast_in_dim3A_525 : i1 to vector<16xi1>
          %masked_cumsum3A_527 = tpu.scan <sum>, %select_n3A_524 masked %broadcast_in_dim3A_526 : vector<16xi32>, vector<16xi1> -> vector<16xi32>
          %add3A_528 = arith.addi %add3A_508, %masked_cumsum3A_527 : vector<16xi32>
          %sub3A_529 = arith.constant 1 : i32
          %sub3A_530 = vector.broadcast %sub3A_529 : i32 to vector<16xi32>
          %sub3A_531 = arith.subi %add3A_528, %sub3A_530 : vector<16xi32>
          %mul3A_532 = arith.constant 6400 : i32
          %mul3A_533 = arith.muli %scan3A_96, %mul3A_532 : i32
          %add3A_534 = arith.addi %mul3A_8, %mul3A_533 : i32
          %add3A_535 = arith.addi %add3A_534, %mul3A_112 : i32
          %mul3A_536 = arith.constant 16 : i32
          %mul3A_537 = arith.muli %scan3A_509, %mul3A_536 : i32
          %add3A_538 = arith.addi %add3A_535, %mul3A_537 : i32
          %add3A_539 = vector.broadcast %add3A_538 : i32 to vector<16xi32>
          %add3A_540 = arith.addi %iota3A, %add3A_539 : vector<16xi32>
          %and3A_541 = arith.constant 1023 : i32
          %and3A_542 = vector.broadcast %and3A_541 : i32 to vector<16xi32>
          %and3A_543 = arith.andi %sub3A_531, %and3A_542 : vector<16xi32>
          tpu.vector_store_idx %arg8[%and3A_543], %add3A_540 masked %and3A_523 : memref<1024xi32, #tpu.memory_space<vmem>>[vector<16xi32>], vector<16xi32>, vector<16xi1>
          %and3A_544 = arith.constant 1023 : i32
          %and3A_545 = vector.broadcast %and3A_544 : i32 to vector<16xi32>
          %and3A_546 = arith.andi %sub3A_531, %and3A_545 : vector<16xi32>
          tpu.vector_store_idx %arg7[%and3A_546], %sub3A_516 masked %and3A_523 : memref<1024xi32, #tpu.memory_space<vmem>>[vector<16xi32>], vector<16xi32>, vector<16xi1>
          %all_reduce_population_count3A_547 = tpu.all_reduce %and3A_523 {dim = 0 : i64, kind = #tpu.reduction_kind<sum>} : vector<16xi1> -> vector<16xi32>
          %add3A_548 = arith.addi %add3A_508, %all_reduce_population_count3A_547 : vector<16xi32>
          %scan3A_549 = arith.constant 11 : i32
          %mul3A_550 = arith.constant 16 : i32
          %mul3A_551 = arith.muli %scan3A_549, %mul3A_550 : i32
          %add3A_552 = arith.addi %mul3A_112, %mul3A_551 : i32
          %get3A_553 = arith.index_cast %add3A_552 : i32 to index
          %get3A_554 = tpu.vector_load %arg6[%get3A_553] {strides = array<i32>} : memref<6400xi32, #tpu.memory_space<vmem>>, vector<16xi32>,
          %sub3A_555 = vector.broadcast %mul3A_23 : i32 to vector<16xi32>
          %sub3A_556 = arith.subi %get3A_554, %sub3A_555 : vector<16xi32>
          %ge3A_557 = arith.constant 0 : i32
          %ge3A_558 = vector.broadcast %ge3A_557 : i32 to vector<16xi32>
          %ge3A_559 = arith.cmpi sge, %sub3A_556, %ge3A_558 : vector<16xi32>
          %lt3A_560 = arith.constant 57088 : i32
          %lt3A_561 = vector.broadcast %lt3A_560 : i32 to vector<16xi32>
          %lt3A_562 = arith.cmpi slt, %sub3A_556, %lt3A_561 : vector<16xi32>
          %and3A_563 = arith.andi %ge3A_559, %lt3A_562 : vector<16xi1>
          %select_n3A_564 = arith.select %and3A_563, %add3A_3, %mul3A_6 : vector<16xi1>, vector<16xi32>
          %broadcast_in_dim3A_565 = arith.constant true
          %broadcast_in_dim3A_566 = vector.broadcast %broadcast_in_dim3A_565 : i1 to vector<16xi1>
          %masked_cumsum3A_567 = tpu.scan <sum>, %select_n3A_564 masked %broadcast_in_dim3A_566 : vector<16xi32>, vector<16xi1> -> vector<16xi32>
          %add3A_568 = arith.addi %add3A_548, %masked_cumsum3A_567 : vector<16xi32>
          %sub3A_569 = arith.constant 1 : i32
          %sub3A_570 = vector.broadcast %sub3A_569 : i32 to vector<16xi32>
          %sub3A_571 = arith.subi %add3A_568, %sub3A_570 : vector<16xi32>
          %mul3A_572 = arith.constant 6400 : i32
          %mul3A_573 = arith.muli %scan3A_96, %mul3A_572 : i32
          %add3A_574 = arith.addi %mul3A_8, %mul3A_573 : i32
          %add3A_575 = arith.addi %add3A_574, %mul3A_112 : i32
          %mul3A_576 = arith.constant 16 : i32
          %mul3A_577 = arith.muli %scan3A_549, %mul3A_576 : i32
          %add3A_578 = arith.addi %add3A_575, %mul3A_577 : i32
          %add3A_579 = vector.broadcast %add3A_578 : i32 to vector<16xi32>
          %add3A_580 = arith.addi %iota3A, %add3A_579 : vector<16xi32>
          %and3A_581 = arith.constant 1023 : i32
          %and3A_582 = vector.broadcast %and3A_581 : i32 to vector<16xi32>
          %and3A_583 = arith.andi %sub3A_571, %and3A_582 : vector<16xi32>
          tpu.vector_store_idx %arg8[%and3A_583], %add3A_580 masked %and3A_563 : memref<1024xi32, #tpu.memory_space<vmem>>[vector<16xi32>], vector<16xi32>, vector<16xi1>
          %and3A_584 = arith.constant 1023 : i32
          %and3A_585 = vector.broadcast %and3A_584 : i32 to vector<16xi32>
          %and3A_586 = arith.andi %sub3A_571, %and3A_585 : vector<16xi32>
          tpu.vector_store_idx %arg7[%and3A_586], %sub3A_556 masked %and3A_563 : memref<1024xi32, #tpu.memory_space<vmem>>[vector<16xi32>], vector<16xi32>, vector<16xi1>
          %all_reduce_population_count3A_587 = tpu.all_reduce %and3A_563 {dim = 0 : i64, kind = #tpu.reduction_kind<sum>} : vector<16xi1> -> vector<16xi32>
          %add3A_588 = arith.addi %add3A_548, %all_reduce_population_count3A_587 : vector<16xi32>
          %scan3A_589 = arith.constant 12 : i32
          %mul3A_590 = arith.constant 16 : i32
          %mul3A_591 = arith.muli %scan3A_589, %mul3A_590 : i32
          %add3A_592 = arith.addi %mul3A_112, %mul3A_591 : i32
          %get3A_593 = arith.index_cast %add3A_592 : i32 to index
          %get3A_594 = tpu.vector_load %arg6[%get3A_593] {strides = array<i32>} : memref<6400xi32, #tpu.memory_space<vmem>>, vector<16xi32>,
          %sub3A_595 = vector.broadcast %mul3A_23 : i32 to vector<16xi32>
          %sub3A_596 = arith.subi %get3A_594, %sub3A_595 : vector<16xi32>
          %ge3A_597 = arith.constant 0 : i32
          %ge3A_598 = vector.broadcast %ge3A_597 : i32 to vector<16xi32>
          %ge3A_599 = arith.cmpi sge, %sub3A_596, %ge3A_598 : vector<16xi32>
          %lt3A_600 = arith.constant 57088 : i32
          %lt3A_601 = vector.broadcast %lt3A_600 : i32 to vector<16xi32>
          %lt3A_602 = arith.cmpi slt, %sub3A_596, %lt3A_601 : vector<16xi32>
          %and3A_603 = arith.andi %ge3A_599, %lt3A_602 : vector<16xi1>
          %select_n3A_604 = arith.select %and3A_603, %add3A_3, %mul3A_6 : vector<16xi1>, vector<16xi32>
          %broadcast_in_dim3A_605 = arith.constant true
          %broadcast_in_dim3A_606 = vector.broadcast %broadcast_in_dim3A_605 : i1 to vector<16xi1>
          %masked_cumsum3A_607 = tpu.scan <sum>, %select_n3A_604 masked %broadcast_in_dim3A_606 : vector<16xi32>, vector<16xi1> -> vector<16xi32>
          %add3A_608 = arith.addi %add3A_588, %masked_cumsum3A_607 : vector<16xi32>
          %sub3A_609 = arith.constant 1 : i32
          %sub3A_610 = vector.broadcast %sub3A_609 : i32 to vector<16xi32>
          %sub3A_611 = arith.subi %add3A_608, %sub3A_610 : vector<16xi32>
          %mul3A_612 = arith.constant 6400 : i32
          %mul3A_613 = arith.muli %scan3A_96, %mul3A_612 : i32
          %add3A_614 = arith.addi %mul3A_8, %mul3A_613 : i32
          %add3A_615 = arith.addi %add3A_614, %mul3A_112 : i32
          %mul3A_616 = arith.constant 16 : i32
          %mul3A_617 = arith.muli %scan3A_589, %mul3A_616 : i32
          %add3A_618 = arith.addi %add3A_615, %mul3A_617 : i32
          %add3A_619 = vector.broadcast %add3A_618 : i32 to vector<16xi32>
          %add3A_620 = arith.addi %iota3A, %add3A_619 : vector<16xi32>
          %and3A_621 = arith.constant 1023 : i32
          %and3A_622 = vector.broadcast %and3A_621 : i32 to vector<16xi32>
          %and3A_623 = arith.andi %sub3A_611, %and3A_622 : vector<16xi32>
          tpu.vector_store_idx %arg8[%and3A_623], %add3A_620 masked %and3A_603 : memref<1024xi32, #tpu.memory_space<vmem>>[vector<16xi32>], vector<16xi32>, vector<16xi1>
          %and3A_624 = arith.constant 1023 : i32
          %and3A_625 = vector.broadcast %and3A_624 : i32 to vector<16xi32>
          %and3A_626 = arith.andi %sub3A_611, %and3A_625 : vector<16xi32>
          tpu.vector_store_idx %arg7[%and3A_626], %sub3A_596 masked %and3A_603 : memref<1024xi32, #tpu.memory_space<vmem>>[vector<16xi32>], vector<16xi32>, vector<16xi1>
          %all_reduce_population_count3A_627 = tpu.all_reduce %and3A_603 {dim = 0 : i64, kind = #tpu.reduction_kind<sum>} : vector<16xi1> -> vector<16xi32>
          %add3A_628 = arith.addi %add3A_588, %all_reduce_population_count3A_627 : vector<16xi32>
          %scan3A_629 = arith.constant 13 : i32
          %mul3A_630 = arith.constant 16 : i32
          %mul3A_631 = arith.muli %scan3A_629, %mul3A_630 : i32
          %add3A_632 = arith.addi %mul3A_112, %mul3A_631 : i32
          %get3A_633 = arith.index_cast %add3A_632 : i32 to index
          %get3A_634 = tpu.vector_load %arg6[%get3A_633] {strides = array<i32>} : memref<6400xi32, #tpu.memory_space<vmem>>, vector<16xi32>,
          %sub3A_635 = vector.broadcast %mul3A_23 : i32 to vector<16xi32>
          %sub3A_636 = arith.subi %get3A_634, %sub3A_635 : vector<16xi32>
          %ge3A_637 = arith.constant 0 : i32
          %ge3A_638 = vector.broadcast %ge3A_637 : i32 to vector<16xi32>
          %ge3A_639 = arith.cmpi sge, %sub3A_636, %ge3A_638 : vector<16xi32>
          %lt3A_640 = arith.constant 57088 : i32
          %lt3A_641 = vector.broadcast %lt3A_640 : i32 to vector<16xi32>
          %lt3A_642 = arith.cmpi slt, %sub3A_636, %lt3A_641 : vector<16xi32>
          %and3A_643 = arith.andi %ge3A_639, %lt3A_642 : vector<16xi1>
          %select_n3A_644 = arith.select %and3A_643, %add3A_3, %mul3A_6 : vector<16xi1>, vector<16xi32>
          %broadcast_in_dim3A_645 = arith.constant true
          %broadcast_in_dim3A_646 = vector.broadcast %broadcast_in_dim3A_645 : i1 to vector<16xi1>
          %masked_cumsum3A_647 = tpu.scan <sum>, %select_n3A_644 masked %broadcast_in_dim3A_646 : vector<16xi32>, vector<16xi1> -> vector<16xi32>
          %add3A_648 = arith.addi %add3A_628, %masked_cumsum3A_647 : vector<16xi32>
          %sub3A_649 = arith.constant 1 : i32
          %sub3A_650 = vector.broadcast %sub3A_649 : i32 to vector<16xi32>
          %sub3A_651 = arith.subi %add3A_648, %sub3A_650 : vector<16xi32>
          %mul3A_652 = arith.constant 6400 : i32
          %mul3A_653 = arith.muli %scan3A_96, %mul3A_652 : i32
          %add3A_654 = arith.addi %mul3A_8, %mul3A_653 : i32
          %add3A_655 = arith.addi %add3A_654, %mul3A_112 : i32
          %mul3A_656 = arith.constant 16 : i32
          %mul3A_657 = arith.muli %scan3A_629, %mul3A_656 : i32
          %add3A_658 = arith.addi %add3A_655, %mul3A_657 : i32
          %add3A_659 = vector.broadcast %add3A_658 : i32 to vector<16xi32>
          %add3A_660 = arith.addi %iota3A, %add3A_659 : vector<16xi32>
          %and3A_661 = arith.constant 1023 : i32
          %and3A_662 = vector.broadcast %and3A_661 : i32 to vector<16xi32>
          %and3A_663 = arith.andi %sub3A_651, %and3A_662 : vector<16xi32>
          tpu.vector_store_idx %arg8[%and3A_663], %add3A_660 masked %and3A_643 : memref<1024xi32, #tpu.memory_space<vmem>>[vector<16xi32>], vector<16xi32>, vector<16xi1>
          %and3A_664 = arith.constant 1023 : i32
          %and3A_665 = vector.broadcast %and3A_664 : i32 to vector<16xi32>
          %and3A_666 = arith.andi %sub3A_651, %and3A_665 : vector<16xi32>
          tpu.vector_store_idx %arg7[%and3A_666], %sub3A_636 masked %and3A_643 : memref<1024xi32, #tpu.memory_space<vmem>>[vector<16xi32>], vector<16xi32>, vector<16xi1>
          %all_reduce_population_count3A_667 = tpu.all_reduce %and3A_643 {dim = 0 : i64, kind = #tpu.reduction_kind<sum>} : vector<16xi1> -> vector<16xi32>
          %add3A_668 = arith.addi %add3A_628, %all_reduce_population_count3A_667 : vector<16xi32>
          %scan3A_669 = arith.constant 14 : i32
          %mul3A_670 = arith.constant 16 : i32
          %mul3A_671 = arith.muli %scan3A_669, %mul3A_670 : i32
          %add3A_672 = arith.addi %mul3A_112, %mul3A_671 : i32
          %get3A_673 = arith.index_cast %add3A_672 : i32 to index
          %get3A_674 = tpu.vector_load %arg6[%get3A_673] {strides = array<i32>} : memref<6400xi32, #tpu.memory_space<vmem>>, vector<16xi32>,
          %sub3A_675 = vector.broadcast %mul3A_23 : i32 to vector<16xi32>
          %sub3A_676 = arith.subi %get3A_674, %sub3A_675 : vector<16xi32>
          %ge3A_677 = arith.constant 0 : i32
          %ge3A_678 = vector.broadcast %ge3A_677 : i32 to vector<16xi32>
          %ge3A_679 = arith.cmpi sge, %sub3A_676, %ge3A_678 : vector<16xi32>
          %lt3A_680 = arith.constant 57088 : i32
          %lt3A_681 = vector.broadcast %lt3A_680 : i32 to vector<16xi32>
          %lt3A_682 = arith.cmpi slt, %sub3A_676, %lt3A_681 : vector<16xi32>
          %and3A_683 = arith.andi %ge3A_679, %lt3A_682 : vector<16xi1>
          %select_n3A_684 = arith.select %and3A_683, %add3A_3, %mul3A_6 : vector<16xi1>, vector<16xi32>
          %broadcast_in_dim3A_685 = arith.constant true
          %broadcast_in_dim3A_686 = vector.broadcast %broadcast_in_dim3A_685 : i1 to vector<16xi1>
          %masked_cumsum3A_687 = tpu.scan <sum>, %select_n3A_684 masked %broadcast_in_dim3A_686 : vector<16xi32>, vector<16xi1> -> vector<16xi32>
          %add3A_688 = arith.addi %add3A_668, %masked_cumsum3A_687 : vector<16xi32>
          %sub3A_689 = arith.constant 1 : i32
          %sub3A_690 = vector.broadcast %sub3A_689 : i32 to vector<16xi32>
          %sub3A_691 = arith.subi %add3A_688, %sub3A_690 : vector<16xi32>
          %mul3A_692 = arith.constant 6400 : i32
          %mul3A_693 = arith.muli %scan3A_96, %mul3A_692 : i32
          %add3A_694 = arith.addi %mul3A_8, %mul3A_693 : i32
          %add3A_695 = arith.addi %add3A_694, %mul3A_112 : i32
          %mul3A_696 = arith.constant 16 : i32
          %mul3A_697 = arith.muli %scan3A_669, %mul3A_696 : i32
          %add3A_698 = arith.addi %add3A_695, %mul3A_697 : i32
          %add3A_699 = vector.broadcast %add3A_698 : i32 to vector<16xi32>
          %add3A_700 = arith.addi %iota3A, %add3A_699 : vector<16xi32>
          %and3A_701 = arith.constant 1023 : i32
          %and3A_702 = vector.broadcast %and3A_701 : i32 to vector<16xi32>
          %and3A_703 = arith.andi %sub3A_691, %and3A_702 : vector<16xi32>
          tpu.vector_store_idx %arg8[%and3A_703], %add3A_700 masked %and3A_683 : memref<1024xi32, #tpu.memory_space<vmem>>[vector<16xi32>], vector<16xi32>, vector<16xi1>
          %and3A_704 = arith.constant 1023 : i32
          %and3A_705 = vector.broadcast %and3A_704 : i32 to vector<16xi32>
          %and3A_706 = arith.andi %sub3A_691, %and3A_705 : vector<16xi32>
          tpu.vector_store_idx %arg7[%and3A_706], %sub3A_676 masked %and3A_683 : memref<1024xi32, #tpu.memory_space<vmem>>[vector<16xi32>], vector<16xi32>, vector<16xi1>
          %all_reduce_population_count3A_707 = tpu.all_reduce %and3A_683 {dim = 0 : i64, kind = #tpu.reduction_kind<sum>} : vector<16xi1> -> vector<16xi32>
          %add3A_708 = arith.addi %add3A_668, %all_reduce_population_count3A_707 : vector<16xi32>
          %scan3A_709 = arith.constant 15 : i32
          %mul3A_710 = arith.constant 16 : i32
          %mul3A_711 = arith.muli %scan3A_709, %mul3A_710 : i32
          %add3A_712 = arith.addi %mul3A_112, %mul3A_711 : i32
          %get3A_713 = arith.index_cast %add3A_712 : i32 to index
          %get3A_714 = tpu.vector_load %arg6[%get3A_713] {strides = array<i32>} : memref<6400xi32, #tpu.memory_space<vmem>>, vector<16xi32>,
          %sub3A_715 = vector.broadcast %mul3A_23 : i32 to vector<16xi32>
          %sub3A_716 = arith.subi %get3A_714, %sub3A_715 : vector<16xi32>
          %ge3A_717 = arith.constant 0 : i32
          %ge3A_718 = vector.broadcast %ge3A_717 : i32 to vector<16xi32>
          %ge3A_719 = arith.cmpi sge, %sub3A_716, %ge3A_718 : vector<16xi32>
          %lt3A_720 = arith.constant 57088 : i32
          %lt3A_721 = vector.broadcast %lt3A_720 : i32 to vector<16xi32>
          %lt3A_722 = arith.cmpi slt, %sub3A_716, %lt3A_721 : vector<16xi32>
          %and3A_723 = arith.andi %ge3A_719, %lt3A_722 : vector<16xi1>
          %select_n3A_724 = arith.select %and3A_723, %add3A_3, %mul3A_6 : vector<16xi1>, vector<16xi32>
          %broadcast_in_dim3A_725 = arith.constant true
          %broadcast_in_dim3A_726 = vector.broadcast %broadcast_in_dim3A_725 : i1 to vector<16xi1>
          %masked_cumsum3A_727 = tpu.scan <sum>, %select_n3A_724 masked %broadcast_in_dim3A_726 : vector<16xi32>, vector<16xi1> -> vector<16xi32>
          %add3A_728 = arith.addi %add3A_708, %masked_cumsum3A_727 : vector<16xi32>
          %sub3A_729 = arith.constant 1 : i32
          %sub3A_730 = vector.broadcast %sub3A_729 : i32 to vector<16xi32>
          %sub3A_731 = arith.subi %add3A_728, %sub3A_730 : vector<16xi32>
          %mul3A_732 = arith.constant 6400 : i32
          %mul3A_733 = arith.muli %scan3A_96, %mul3A_732 : i32
          %add3A_734 = arith.addi %mul3A_8, %mul3A_733 : i32
          %add3A_735 = arith.addi %add3A_734, %mul3A_112 : i32
          %mul3A_736 = arith.constant 16 : i32
          %mul3A_737 = arith.muli %scan3A_709, %mul3A_736 : i32
          %add3A_738 = arith.addi %add3A_735, %mul3A_737 : i32
          %add3A_739 = vector.broadcast %add3A_738 : i32 to vector<16xi32>
          %add3A_740 = arith.addi %iota3A, %add3A_739 : vector<16xi32>
          %and3A_741 = arith.constant 1023 : i32
          %and3A_742 = vector.broadcast %and3A_741 : i32 to vector<16xi32>
          %and3A_743 = arith.andi %sub3A_731, %and3A_742 : vector<16xi32>
          tpu.vector_store_idx %arg8[%and3A_743], %add3A_740 masked %and3A_723 : memref<1024xi32, #tpu.memory_space<vmem>>[vector<16xi32>], vector<16xi32>, vector<16xi1>
          %and3A_744 = arith.constant 1023 : i32
          %and3A_745 = vector.broadcast %and3A_744 : i32 to vector<16xi32>
          %and3A_746 = arith.andi %sub3A_731, %and3A_745 : vector<16xi32>
          tpu.vector_store_idx %arg7[%and3A_746], %sub3A_716 masked %and3A_723 : memref<1024xi32, #tpu.memory_space<vmem>>[vector<16xi32>], vector<16xi32>, vector<16xi1>
          %all_reduce_population_count3A_747 = tpu.all_reduce %and3A_723 {dim = 0 : i64, kind = #tpu.reduction_kind<sum>} : vector<16xi1> -> vector<16xi32>
          %add3A_748 = arith.addi %add3A_708, %all_reduce_population_count3A_747 : vector<16xi32>
          %scan3A_749 = arith.constant 16 : i32
          %slice3A_750 = vector.extract_strided_slice %add3A_748 {offsets = [0], sizes = [1], strides = [1]} : vector<16xi32> to vector<1xi32>
          %squeeze3A_751 = vector.extract %slice3A_750[0] : i32 from vector<1xi32>
          %while3A_752 = arith.constant 0 : i32
          %while3A_753:2 = scf.while (%while3A_754 = %scan3A_110, %while3A_755 = %while3A_752) : (i32, i32) -> (i32, i32) {
            %sub3A_756 = arith.subi %squeeze3A_751, %while3A_754 : i32
            %ge3A_757 = arith.constant 256 : i32
            %ge3A_758 = arith.cmpi sge, %sub3A_756, %ge3A_757 : i32
            scf.condition(%ge3A_758) %while3A_754, %while3A_755 : i32, i32
          } do {
          ^bb0(%while3A_754: i32, %while3A_755: i32):
            %and3A_756 = arith.constant 1023 : i32
            %and3A_757 = arith.andi %while3A_754, %and3A_756 : i32
            %multiple_of3A_758 = tpu.assume_multiple %and3A_757, 128 : i32
            %dma_start3A = tpu.memref_slice %arg8[%multiple_of3A_758] : memref<1024xi32, #tpu.memory_space<vmem>> -> memref<256xi32, #tpu.memory_space<vmem>>
            %dma_start3A_759 = arith.constant 0 : i32
            %dma_start3A_760 = arith.constant 0 : i32
            %dma_start3A_761 = tpu.memref_slice %arg4[%dma_start3A_759, %dma_start3A_760] : memref<819200x32xf32, #tpu.memory_space<hbm>> -> memref<819200x32xf32, #tpu.memory_space<hbm>>
            tpu.enqueue_indirect_dma source(%dma_start3A_761 : memref<819200x32xf32, #tpu.memory_space<hbm>>) target(%arg9 : memref<256x32xf32, #tpu.memory_space<vmem>>) offsets(%dma_start3A : memref<256xi32, #tpu.memory_space<vmem>>) semaphore(%arg11 : memref<!tpu.dma_semaphore, #tpu.memory_space<semaphore_mem>>)
            %dma_wait3A = tpu.memref_slice %arg8[%multiple_of3A_758] : memref<1024xi32, #tpu.memory_space<vmem>> -> memref<256xi32, #tpu.memory_space<vmem>>
            %dma_wait3A_762 = arith.constant 0 : i32
            %dma_wait3A_763 = arith.constant 0 : i32
            %dma_wait3A_764 = tpu.memref_slice %arg4[%dma_wait3A_762, %dma_wait3A_763] : memref<819200x32xf32, #tpu.memory_space<hbm>> -> memref<819200x32xf32, #tpu.memory_space<hbm>>
            tpu.wait_indirect_dma semaphore(%arg11 : memref<!tpu.dma_semaphore, #tpu.memory_space<semaphore_mem>>) src(%dma_wait3A_764 : memref<819200x32xf32, #tpu.memory_space<hbm>>) dst(%arg9 : memref<256x32xf32, #tpu.memory_space<vmem>>)
            "tpu.region"() ({
              %run_scoped3A = tpu.sem_alloc : memref<!tpu.dma_semaphore, #tpu.memory_space<semaphore_mem>>
              %dma_start3A_770 = arith.constant 0 : i32
              %dma_start3A_771 = arith.constant 0 : i32
              %dma_start3A_772 = tpu.memref_slice %arg9[%dma_start3A_770, %dma_start3A_771] : memref<256x32xf32, #tpu.memory_space<vmem>> -> memref<128x32xf32, #tpu.memory_space<vmem>>
              %dma_start3A_773 = tpu.memref_slice %arg7[%multiple_of3A_758] : memref<1024xi32, #tpu.memory_space<vmem>> -> memref<128xi32, #tpu.memory_space<vmem>>
              %dma_start3A_774 = arith.constant 0 : i32
              %dma_start3A_775 = arith.constant 0 : i32
              %dma_start3A_776 = tpu.memref_slice %arg10[%dma_start3A_774, %dma_start3A_775] : memref<57104x32xf32, #tpu.memory_space<vmem_shared>> -> memref<57104x32xf32, #tpu.memory_space<vmem_shared>>
              tpu.enqueue_indirect_dma source(%dma_start3A_772 : memref<128x32xf32, #tpu.memory_space<vmem>>) target(%dma_start3A_776 : memref<57104x32xf32, #tpu.memory_space<vmem_shared>>) offsets(%dma_start3A_773 : memref<128xi32, #tpu.memory_space<vmem>>) semaphore(%run_scoped3A : memref<!tpu.dma_semaphore, #tpu.memory_space<semaphore_mem>>) {add = true}
              %dma_wait3A_777 = arith.constant 0 : i32
              %dma_wait3A_778 = arith.constant 0 : i32
              %dma_wait3A_779 = tpu.memref_slice %arg9[%dma_wait3A_777, %dma_wait3A_778] : memref<256x32xf32, #tpu.memory_space<vmem>> -> memref<128x32xf32, #tpu.memory_space<vmem>>
              %dma_wait3A_780 = tpu.memref_slice %arg7[%multiple_of3A_758] : memref<1024xi32, #tpu.memory_space<vmem>> -> memref<128xi32, #tpu.memory_space<vmem>>
              %dma_wait3A_781 = arith.constant 0 : i32
              %dma_wait3A_782 = arith.constant 0 : i32
              %dma_wait3A_783 = tpu.memref_slice %arg10[%dma_wait3A_781, %dma_wait3A_782] : memref<57104x32xf32, #tpu.memory_space<vmem_shared>> -> memref<57104x32xf32, #tpu.memory_space<vmem_shared>>
              tpu.wait_indirect_dma semaphore(%run_scoped3A : memref<!tpu.dma_semaphore, #tpu.memory_space<semaphore_mem>>) src(%dma_wait3A_779 : memref<128x32xf32, #tpu.memory_space<vmem>>) dst(%dma_wait3A_783 : memref<57104x32xf32, #tpu.memory_space<vmem_shared>>)
              tpu.yield
            }) : () -> ()
            %add3A_765 = arith.constant 128 : i32
            %add3A_766 = arith.addi %multiple_of3A_758, %add3A_765 : i32
            "tpu.region"() ({
              %run_scoped3A = tpu.sem_alloc : memref<!tpu.dma_semaphore, #tpu.memory_space<semaphore_mem>>
              %dma_start3A_770 = arith.constant 128 : i32
              %dma_start3A_771 = arith.constant 0 : i32
              %dma_start3A_772 = tpu.memref_slice %arg9[%dma_start3A_770, %dma_start3A_771] : memref<256x32xf32, #tpu.memory_space<vmem>> -> memref<128x32xf32, #tpu.memory_space<vmem>>
              %dma_start3A_773 = tpu.memref_slice %arg7[%add3A_766] : memref<1024xi32, #tpu.memory_space<vmem>> -> memref<128xi32, #tpu.memory_space<vmem>>
              %dma_start3A_774 = arith.constant 0 : i32
              %dma_start3A_775 = arith.constant 0 : i32
              %dma_start3A_776 = tpu.memref_slice %arg10[%dma_start3A_774, %dma_start3A_775] : memref<57104x32xf32, #tpu.memory_space<vmem_shared>> -> memref<57104x32xf32, #tpu.memory_space<vmem_shared>>
              tpu.enqueue_indirect_dma source(%dma_start3A_772 : memref<128x32xf32, #tpu.memory_space<vmem>>) target(%dma_start3A_776 : memref<57104x32xf32, #tpu.memory_space<vmem_shared>>) offsets(%dma_start3A_773 : memref<128xi32, #tpu.memory_space<vmem>>) semaphore(%run_scoped3A : memref<!tpu.dma_semaphore, #tpu.memory_space<semaphore_mem>>) {add = true}
              %dma_wait3A_777 = arith.constant 128 : i32
              %dma_wait3A_778 = arith.constant 0 : i32
              %dma_wait3A_779 = tpu.memref_slice %arg9[%dma_wait3A_777, %dma_wait3A_778] : memref<256x32xf32, #tpu.memory_space<vmem>> -> memref<128x32xf32, #tpu.memory_space<vmem>>
              %dma_wait3A_780 = tpu.memref_slice %arg7[%add3A_766] : memref<1024xi32, #tpu.memory_space<vmem>> -> memref<128xi32, #tpu.memory_space<vmem>>
              %dma_wait3A_781 = arith.constant 0 : i32
              %dma_wait3A_782 = arith.constant 0 : i32
              %dma_wait3A_783 = tpu.memref_slice %arg10[%dma_wait3A_781, %dma_wait3A_782] : memref<57104x32xf32, #tpu.memory_space<vmem_shared>> -> memref<57104x32xf32, #tpu.memory_space<vmem_shared>>
              tpu.wait_indirect_dma semaphore(%run_scoped3A : memref<!tpu.dma_semaphore, #tpu.memory_space<semaphore_mem>>) src(%dma_wait3A_779 : memref<128x32xf32, #tpu.memory_space<vmem>>) dst(%dma_wait3A_783 : memref<57104x32xf32, #tpu.memory_space<vmem_shared>>)
              tpu.yield
            }) : () -> ()
            %add3A_767 = arith.constant 256 : i32
            %add3A_768 = arith.addi %while3A_754, %add3A_767 : i32
            %while3A_769 = arith.constant 0 : i32
            scf.yield %add3A_768, %while3A_769 : i32, i32
          }
          scf.yield %add3A_748, %while3A_753#0 : vector<16xi32>, i32
        }
        %scan3A_107 = arith.constant 25 : i32
        scf.yield %scan3A_106#0, %scan3A_106#1 : vector<16xi32>, i32
      }
      %scan3A_33 = arith.constant 8 : i32
      %slice3A = vector.extract_strided_slice %scan3A_32#0 {offsets = [0], sizes = [1], strides = [1]} : vector<16xi32> to vector<1xi32>
      %squeeze3A = vector.extract %slice3A[0] : i32 from vector<1xi32>
      %sub3A = arith.subi %squeeze3A, %scan3A_32#1 : i32
      %jit3A = arith.constant 256 : i32
      %eq3A = arith.constant 0 : i32
      %eq3A_34 = arith.cmpi eq, %jit3A, %eq3A : i32
      %jit3A_35 = arith.constant 1 : i32
      %select_n3A = arith.select %eq3A_34, %jit3A_35, %jit3A : i32
      %rem3A = arith.remsi %sub3A, %select_n3A : i32
      %ne3A = arith.constant 0 : i32
      %ne3A_36 = arith.cmpi ne, %rem3A, %ne3A : i32
      %lt3A = arith.constant 0 : i32
      %lt3A_37 = arith.cmpi slt, %rem3A, %lt3A : i32
      %lt3A_38 = arith.constant 0 : i32
      %lt3A_39 = arith.cmpi slt, %select_n3A, %lt3A_38 : i32
      %ne3A_40 = arith.xori %lt3A_37, %lt3A_39 : i1
      %and3A = arith.andi %ne3A_40, %ne3A_36 : i1
      %add3A_41 = arith.addi %rem3A, %select_n3A : i32
      %select_n3A_42 = arith.select %and3A, %add3A_41, %rem3A : i32
      %sub3A_43 = arith.constant 256 : i32
      %sub3A_44 = arith.subi %sub3A_43, %select_n3A_42 : i32
      %jit3A_45 = arith.constant 256 : i32
      %eq3A_46 = arith.constant 0 : i32
      %eq3A_47 = arith.cmpi eq, %jit3A_45, %eq3A_46 : i32
      %jit3A_48 = arith.constant 1 : i32
      %select_n3A_49 = arith.select %eq3A_47, %jit3A_48, %jit3A_45 : i32
      %rem3A_50 = arith.remsi %sub3A_44, %select_n3A_49 : i32
      %ne3A_51 = arith.constant 0 : i32
      %ne3A_52 = arith.cmpi ne, %rem3A_50, %ne3A_51 : i32
      %lt3A_53 = arith.constant 0 : i32
      %lt3A_54 = arith.cmpi slt, %rem3A_50, %lt3A_53 : i32
      %lt3A_55 = arith.constant 0 : i32
      %lt3A_56 = arith.cmpi slt, %select_n3A_49, %lt3A_55 : i32
      %ne3A_57 = arith.xori %lt3A_54, %lt3A_56 : i1
      %and3A_58 = arith.andi %ne3A_57, %ne3A_52 : i1
      %add3A_59 = arith.addi %rem3A_50, %select_n3A_49 : i32
      %select_n3A_60 = arith.select %and3A_58, %add3A_59, %rem3A_50 : i32
      %add3A_61 = arith.constant 57088 : i32
      %add3A_62 = vector.broadcast %add3A_61 : i32 to vector<16xi32>
      %add3A_63 = arith.addi %iota3A, %add3A_62 : vector<16xi32>
      %add3A_64 = arith.constant 15 : i32
      %add3A_65 = arith.addi %select_n3A_60, %add3A_64 : i32
      %shift_right_arithmetic3A = arith.constant 4 : i32
      %shift_right_arithmetic3A_66 = arith.shrsi %add3A_65, %shift_right_arithmetic3A : i32
      %while3A = arith.constant 0 : i32
      %while3A_67 = arith.constant 0 : i32
      %while3A_68 = arith.subi %shift_right_arithmetic3A_66, %while3A_67 : i32
      %while3A_69 = arith.addi %while3A_67, %while3A_68 : i32
      %while3A_70 = arith.constant 1 : i32
      %while3A_71 = arith.divsi %while3A_68, %while3A_70 : i32
      %while3A_72 = arith.muli %while3A_71, %while3A_70 : i32
      %while3A_73 = arith.addi %while3A_67, %while3A_72 : i32
      %while3A_74 = arith.constant 1 : i32
      scf.for %while3A_96 = %while3A_67 to %while3A_73 step %while3A_74  : i32 {
        %mul3A_97 = arith.constant 16 : i32
        %mul3A_98 = arith.muli %while3A_96, %mul3A_97 : i32
        %add3A_99 = arith.addi %squeeze3A, %mul3A_98 : i32
        %add3A_100 = vector.broadcast %add3A_99 : i32 to vector<16xi32>
        %add3A_101 = arith.addi %add3A_100, %iota3A : vector<16xi32>
        %and3A_102 = arith.constant 1023 : i32
        %and3A_103 = vector.broadcast %and3A_102 : i32 to vector<16xi32>
        %and3A_104 = arith.andi %add3A_101, %and3A_103 : vector<16xi32>
        tpu.vector_store_idx %arg8[%and3A_104], %iota3A : memref<1024xi32, #tpu.memory_space<vmem>>[vector<16xi32>], vector<16xi32>,
        %and3A_105 = arith.constant 1023 : i32
        %and3A_106 = vector.broadcast %and3A_105 : i32 to vector<16xi32>
        %and3A_107 = arith.andi %add3A_101, %and3A_106 : vector<16xi32>
        tpu.vector_store_idx %arg7[%and3A_107], %add3A_63 : memref<1024xi32, #tpu.memory_space<vmem>>[vector<16xi32>], vector<16xi32>,
      }
      %while3A_75 = arith.constant 1 : i32
      scf.for %while3A_96 = %while3A_73 to %while3A_69 step %while3A_75  : i32 {
        %mul3A_97 = arith.constant 16 : i32
        %mul3A_98 = arith.muli %while3A_96, %mul3A_97 : i32
        %add3A_99 = arith.addi %squeeze3A, %mul3A_98 : i32
        %add3A_100 = vector.broadcast %add3A_99 : i32 to vector<16xi32>
        %add3A_101 = arith.addi %add3A_100, %iota3A : vector<16xi32>
        %and3A_102 = arith.constant 1023 : i32
        %and3A_103 = vector.broadcast %and3A_102 : i32 to vector<16xi32>
        %and3A_104 = arith.andi %add3A_101, %and3A_103 : vector<16xi32>
        tpu.vector_store_idx %arg8[%and3A_104], %iota3A : memref<1024xi32, #tpu.memory_space<vmem>>[vector<16xi32>], vector<16xi32>,
        %and3A_105 = arith.constant 1023 : i32
        %and3A_106 = vector.broadcast %and3A_105 : i32 to vector<16xi32>
        %and3A_107 = arith.andi %add3A_101, %and3A_106 : vector<16xi32>
        tpu.vector_store_idx %arg7[%and3A_107], %add3A_63 : memref<1024xi32, #tpu.memory_space<vmem>>[vector<16xi32>], vector<16xi32>,
      }
      %add3A_76 = vector.broadcast %select_n3A_60 : i32 to vector<16xi32>
      %add3A_77 = arith.addi %scan3A_32#0, %add3A_76 : vector<16xi32>
      %add3A_78 = arith.addi %squeeze3A, %select_n3A_60 : i32
      %while3A_79 = arith.constant 0 : i32
      %while3A_80:2 = scf.while (%while3A_96 = %scan3A_32#1, %while3A_97 = %while3A_79) : (i32, i32) -> (i32, i32) {
        %sub3A_98 = arith.subi %add3A_78, %while3A_96 : i32
        %ge3A = arith.constant 256 : i32
        %ge3A_99 = arith.cmpi sge, %sub3A_98, %ge3A : i32
        scf.condition(%ge3A_99) %while3A_96, %while3A_97 : i32, i32
      } do {
      ^bb0(%while3A_96: i32, %while3A_97: i32):
        %and3A_98 = arith.constant 1023 : i32
        %and3A_99 = arith.andi %while3A_96, %and3A_98 : i32
        %multiple_of3A = tpu.assume_multiple %and3A_99, 128 : i32
        %dma_start3A = tpu.memref_slice %arg8[%multiple_of3A] : memref<1024xi32, #tpu.memory_space<vmem>> -> memref<256xi32, #tpu.memory_space<vmem>>
        %dma_start3A_100 = arith.constant 0 : i32
        %dma_start3A_101 = arith.constant 0 : i32
        %dma_start3A_102 = tpu.memref_slice %arg4[%dma_start3A_100, %dma_start3A_101] : memref<819200x32xf32, #tpu.memory_space<hbm>> -> memref<819200x32xf32, #tpu.memory_space<hbm>>
        tpu.enqueue_indirect_dma source(%dma_start3A_102 : memref<819200x32xf32, #tpu.memory_space<hbm>>) target(%arg9 : memref<256x32xf32, #tpu.memory_space<vmem>>) offsets(%dma_start3A : memref<256xi32, #tpu.memory_space<vmem>>) semaphore(%arg11 : memref<!tpu.dma_semaphore, #tpu.memory_space<semaphore_mem>>)
        %dma_wait3A = tpu.memref_slice %arg8[%multiple_of3A] : memref<1024xi32, #tpu.memory_space<vmem>> -> memref<256xi32, #tpu.memory_space<vmem>>
        %dma_wait3A_103 = arith.constant 0 : i32
        %dma_wait3A_104 = arith.constant 0 : i32
        %dma_wait3A_105 = tpu.memref_slice %arg4[%dma_wait3A_103, %dma_wait3A_104] : memref<819200x32xf32, #tpu.memory_space<hbm>> -> memref<819200x32xf32, #tpu.memory_space<hbm>>
        tpu.wait_indirect_dma semaphore(%arg11 : memref<!tpu.dma_semaphore, #tpu.memory_space<semaphore_mem>>) src(%dma_wait3A_105 : memref<819200x32xf32, #tpu.memory_space<hbm>>) dst(%arg9 : memref<256x32xf32, #tpu.memory_space<vmem>>)
        "tpu.region"() ({
          %run_scoped3A = tpu.sem_alloc : memref<!tpu.dma_semaphore, #tpu.memory_space<semaphore_mem>>
          %dma_start3A_111 = arith.constant 0 : i32
          %dma_start3A_112 = arith.constant 0 : i32
          %dma_start3A_113 = tpu.memref_slice %arg9[%dma_start3A_111, %dma_start3A_112] : memref<256x32xf32, #tpu.memory_space<vmem>> -> memref<128x32xf32, #tpu.memory_space<vmem>>
          %dma_start3A_114 = tpu.memref_slice %arg7[%multiple_of3A] : memref<1024xi32, #tpu.memory_space<vmem>> -> memref<128xi32, #tpu.memory_space<vmem>>
          %dma_start3A_115 = arith.constant 0 : i32
          %dma_start3A_116 = arith.constant 0 : i32
          %dma_start3A_117 = tpu.memref_slice %arg10[%dma_start3A_115, %dma_start3A_116] : memref<57104x32xf32, #tpu.memory_space<vmem_shared>> -> memref<57104x32xf32, #tpu.memory_space<vmem_shared>>
          tpu.enqueue_indirect_dma source(%dma_start3A_113 : memref<128x32xf32, #tpu.memory_space<vmem>>) target(%dma_start3A_117 : memref<57104x32xf32, #tpu.memory_space<vmem_shared>>) offsets(%dma_start3A_114 : memref<128xi32, #tpu.memory_space<vmem>>) semaphore(%run_scoped3A : memref<!tpu.dma_semaphore, #tpu.memory_space<semaphore_mem>>) {add = true}
          %dma_wait3A_118 = arith.constant 0 : i32
          %dma_wait3A_119 = arith.constant 0 : i32
          %dma_wait3A_120 = tpu.memref_slice %arg9[%dma_wait3A_118, %dma_wait3A_119] : memref<256x32xf32, #tpu.memory_space<vmem>> -> memref<128x32xf32, #tpu.memory_space<vmem>>
          %dma_wait3A_121 = tpu.memref_slice %arg7[%multiple_of3A] : memref<1024xi32, #tpu.memory_space<vmem>> -> memref<128xi32, #tpu.memory_space<vmem>>
          %dma_wait3A_122 = arith.constant 0 : i32
          %dma_wait3A_123 = arith.constant 0 : i32
          %dma_wait3A_124 = tpu.memref_slice %arg10[%dma_wait3A_122, %dma_wait3A_123] : memref<57104x32xf32, #tpu.memory_space<vmem_shared>> -> memref<57104x32xf32, #tpu.memory_space<vmem_shared>>
          tpu.wait_indirect_dma semaphore(%run_scoped3A : memref<!tpu.dma_semaphore, #tpu.memory_space<semaphore_mem>>) src(%dma_wait3A_120 : memref<128x32xf32, #tpu.memory_space<vmem>>) dst(%dma_wait3A_124 : memref<57104x32xf32, #tpu.memory_space<vmem_shared>>)
          tpu.yield
        }) : () -> ()
        %add3A_106 = arith.constant 128 : i32
        %add3A_107 = arith.addi %multiple_of3A, %add3A_106 : i32
        "tpu.region"() ({
          %run_scoped3A = tpu.sem_alloc : memref<!tpu.dma_semaphore, #tpu.memory_space<semaphore_mem>>
          %dma_start3A_111 = arith.constant 128 : i32
          %dma_start3A_112 = arith.constant 0 : i32
          %dma_start3A_113 = tpu.memref_slice %arg9[%dma_start3A_111, %dma_start3A_112] : memref<256x32xf32, #tpu.memory_space<vmem>> -> memref<128x32xf32, #tpu.memory_space<vmem>>
          %dma_start3A_114 = tpu.memref_slice %arg7[%add3A_107] : memref<1024xi32, #tpu.memory_space<vmem>> -> memref<128xi32, #tpu.memory_space<vmem>>
          %dma_start3A_115 = arith.constant 0 : i32
          %dma_start3A_116 = arith.constant 0 : i32
          %dma_start3A_117 = tpu.memref_slice %arg10[%dma_start3A_115, %dma_start3A_116] : memref<57104x32xf32, #tpu.memory_space<vmem_shared>> -> memref<57104x32xf32, #tpu.memory_space<vmem_shared>>
          tpu.enqueue_indirect_dma source(%dma_start3A_113 : memref<128x32xf32, #tpu.memory_space<vmem>>) target(%dma_start3A_117 : memref<57104x32xf32, #tpu.memory_space<vmem_shared>>) offsets(%dma_start3A_114 : memref<128xi32, #tpu.memory_space<vmem>>) semaphore(%run_scoped3A : memref<!tpu.dma_semaphore, #tpu.memory_space<semaphore_mem>>) {add = true}
          %dma_wait3A_118 = arith.constant 128 : i32
          %dma_wait3A_119 = arith.constant 0 : i32
          %dma_wait3A_120 = tpu.memref_slice %arg9[%dma_wait3A_118, %dma_wait3A_119] : memref<256x32xf32, #tpu.memory_space<vmem>> -> memref<128x32xf32, #tpu.memory_space<vmem>>
          %dma_wait3A_121 = tpu.memref_slice %arg7[%add3A_107] : memref<1024xi32, #tpu.memory_space<vmem>> -> memref<128xi32, #tpu.memory_space<vmem>>
          %dma_wait3A_122 = arith.constant 0 : i32
          %dma_wait3A_123 = arith.constant 0 : i32
          %dma_wait3A_124 = tpu.memref_slice %arg10[%dma_wait3A_122, %dma_wait3A_123] : memref<57104x32xf32, #tpu.memory_space<vmem_shared>> -> memref<57104x32xf32, #tpu.memory_space<vmem_shared>>
          tpu.wait_indirect_dma semaphore(%run_scoped3A : memref<!tpu.dma_semaphore, #tpu.memory_space<semaphore_mem>>) src(%dma_wait3A_120 : memref<128x32xf32, #tpu.memory_space<vmem>>) dst(%dma_wait3A_124 : memref<57104x32xf32, #tpu.memory_space<vmem_shared>>)
          tpu.yield
        }) : () -> ()
        %add3A_108 = arith.constant 256 : i32
        %add3A_109 = arith.addi %while3A_96, %add3A_108 : i32
        %while3A_110 = arith.constant 0 : i32
        scf.yield %add3A_109, %while3A_110 : i32, i32
      }
      %barrier3A_81 = arith.constant 0 : index
      tpu.barrier barrier_id(%barrier3A_81)
      %eq3A_82 = arith.constant 17 : i32
      %eq3A_83 = arith.cmpi eq, %add3A_21, %eq3A_82 : i32
      %not3A = arith.constant true
      %not3A_84 = arith.xori %eq3A_83, %not3A : i1
      %convert_element_type3A = arith.extui %not3A_84 : i1 to i32
      %cond3A = arith.constant 0 : i32
      %cond3A_85 = arith.cmpi ne, %convert_element_type3A, %cond3A : i32
      scf.if %cond3A_85 {
        %mul3A_96 = arith.constant 3568 : i32
        %mul3A_97 = arith.muli %arg1, %mul3A_96 : i32
        %mul3A_98 = arith.constant 3568 : i32
        %mul3A_99 = arith.muli %arg1, %mul3A_98 : i32
        %add3A_100 = arith.addi %mul3A_23, %mul3A_99 : i32
        "tpu.region"() ({
          %run_scoped3A = tpu.sem_alloc : memref<!tpu.dma_semaphore, #tpu.memory_space<semaphore_mem>>
          %dma_start3A = arith.constant 0 : i32
          %dma_start3A_101 = tpu.memref_slice %arg5[%add3A_100, %dma_start3A] : memref<1000000x32xf32, #tpu.memory_space<hbm>> -> memref<3568x32xf32, #tpu.memory_space<hbm>>
          %dma_start3A_102 = arith.constant 0 : i32
          %dma_start3A_103 = tpu.memref_slice %arg10[%mul3A_97, %dma_start3A_102] : memref<57104x32xf32, #tpu.memory_space<vmem_shared>> -> memref<3568x32xf32, #tpu.memory_space<vmem_shared>>
          tpu.enqueue_dma source(%dma_start3A_103 : memref<3568x32xf32, #tpu.memory_space<vmem_shared>>) target(%dma_start3A_101 : memref<3568x32xf32, #tpu.memory_space<hbm>>) target_semaphore(%run_scoped3A : memref<!tpu.dma_semaphore, #tpu.memory_space<semaphore_mem>>)
          %dma_wait3A = arith.constant 0 : i32
          %dma_wait3A_104 = tpu.memref_slice %arg5[%add3A_100, %dma_wait3A] : memref<1000000x32xf32, #tpu.memory_space<hbm>> -> memref<3568x32xf32, #tpu.memory_space<hbm>>
          %dma_wait3A_105 = arith.constant 0 : i32
          %dma_wait3A_106 = tpu.memref_slice %arg10[%mul3A_97, %dma_wait3A_105] : memref<57104x32xf32, #tpu.memory_space<vmem_shared>> -> memref<3568x32xf32, #tpu.memory_space<vmem_shared>>
          tpu.wait_dma2 semaphore(%run_scoped3A : memref<!tpu.dma_semaphore, #tpu.memory_space<semaphore_mem>>) src(%dma_wait3A_106 : memref<3568x32xf32, #tpu.memory_space<vmem_shared>>) dst(%dma_wait3A_104 : memref<3568x32xf32, #tpu.memory_space<hbm>>)
          tpu.yield
        }) : () -> ()
      } else {
      }
      %convert_element_type3A_86 = arith.extui %eq3A_83 : i1 to i32
      %cond3A_87 = arith.constant 0 : i32
      %cond3A_88 = arith.cmpi ne, %convert_element_type3A_86, %cond3A_87 : i32
      scf.if %cond3A_88 {
        %mul3A_96 = arith.constant 1840 : i32
        %mul3A_97 = arith.muli %arg1, %mul3A_96 : i32
        %mul3A_98 = arith.constant 1840 : i32
        %mul3A_99 = arith.muli %arg1, %mul3A_98 : i32
        %add3A_100 = arith.addi %mul3A_23, %mul3A_99 : i32
        "tpu.region"() ({
          %run_scoped3A = tpu.sem_alloc : memref<!tpu.dma_semaphore, #tpu.memory_space<semaphore_mem>>
          %dma_start3A = arith.constant 0 : i32
          %dma_start3A_101 = tpu.memref_slice %arg5[%add3A_100, %dma_start3A] : memref<1000000x32xf32, #tpu.memory_space<hbm>> -> memref<1840x32xf32, #tpu.memory_space<hbm>>
          %dma_start3A_102 = arith.constant 0 : i32
          %dma_start3A_103 = tpu.memref_slice %arg10[%mul3A_97, %dma_start3A_102] : memref<57104x32xf32, #tpu.memory_space<vmem_shared>> -> memref<1840x32xf32, #tpu.memory_space<vmem_shared>>
          tpu.enqueue_dma source(%dma_start3A_103 : memref<1840x32xf32, #tpu.memory_space<vmem_shared>>) target(%dma_start3A_101 : memref<1840x32xf32, #tpu.memory_space<hbm>>) target_semaphore(%run_scoped3A : memref<!tpu.dma_semaphore, #tpu.memory_space<semaphore_mem>>)
          %dma_wait3A = arith.constant 0 : i32
          %dma_wait3A_104 = tpu.memref_slice %arg5[%add3A_100, %dma_wait3A] : memref<1000000x32xf32, #tpu.memory_space<hbm>> -> memref<1840x32xf32, #tpu.memory_space<hbm>>
          %dma_wait3A_105 = arith.constant 0 : i32
          %dma_wait3A_106 = tpu.memref_slice %arg10[%mul3A_97, %dma_wait3A_105] : memref<57104x32xf32, #tpu.memory_space<vmem_shared>> -> memref<1840x32xf32, #tpu.memory_space<vmem_shared>>
          tpu.wait_dma2 semaphore(%run_scoped3A : memref<!tpu.dma_semaphore, #tpu.memory_space<semaphore_mem>>) src(%dma_wait3A_106 : memref<1840x32xf32, #tpu.memory_space<vmem_shared>>) dst(%dma_wait3A_104 : memref<1840x32xf32, #tpu.memory_space<hbm>>)
          tpu.yield
        }) : () -> ()
      } else {
      }
      %eq3A_89 = arith.constant 0 : i32
      %eq3A_90 = arith.cmpi eq, %arg1, %eq3A_89 : i32
      %and3A_91 = arith.andi %eq3A_83, %eq3A_90 : i1
      %convert_element_type3A_92 = arith.extui %and3A_91 : i1 to i32
      %cond3A_93 = arith.constant 0 : i32
      %cond3A_94 = arith.cmpi ne, %convert_element_type3A_92, %cond3A_93 : i32
      scf.if %cond3A_94 {
        %add3A_96 = arith.constant 29440 : i32
        %add3A_97 = arith.addi %mul3A_23, %add3A_96 : i32
        "tpu.region"() ({
          %run_scoped3A = tpu.sem_alloc : memref<!tpu.dma_semaphore, #tpu.memory_space<semaphore_mem>>
          %dma_start3A = arith.constant 0 : i32
          %dma_start3A_98 = tpu.memref_slice %arg5[%add3A_97, %dma_start3A] : memref<1000000x32xf32, #tpu.memory_space<hbm>> -> memref<64x32xf32, #tpu.memory_space<hbm>>
          %dma_start3A_99 = arith.constant 29440 : i32
          %dma_start3A_100 = arith.constant 0 : i32
          %dma_start3A_101 = tpu.memref_slice %arg10[%dma_start3A_99, %dma_start3A_100] : memref<57104x32xf32, #tpu.memory_space<vmem_shared>> -> memref<64x32xf32, #tpu.memory_space<vmem_shared>>
          tpu.enqueue_dma source(%dma_start3A_101 : memref<64x32xf32, #tpu.memory_space<vmem_shared>>) target(%dma_start3A_98 : memref<64x32xf32, #tpu.memory_space<hbm>>) target_semaphore(%run_scoped3A : memref<!tpu.dma_semaphore, #tpu.memory_space<semaphore_mem>>)
          %dma_wait3A = arith.constant 0 : i32
          %dma_wait3A_102 = tpu.memref_slice %arg5[%add3A_97, %dma_wait3A] : memref<1000000x32xf32, #tpu.memory_space<hbm>> -> memref<64x32xf32, #tpu.memory_space<hbm>>
          %dma_wait3A_103 = arith.constant 29440 : i32
          %dma_wait3A_104 = arith.constant 0 : i32
          %dma_wait3A_105 = tpu.memref_slice %arg10[%dma_wait3A_103, %dma_wait3A_104] : memref<57104x32xf32, #tpu.memory_space<vmem_shared>> -> memref<64x32xf32, #tpu.memory_space<vmem_shared>>
          tpu.wait_dma2 semaphore(%run_scoped3A : memref<!tpu.dma_semaphore, #tpu.memory_space<semaphore_mem>>) src(%dma_wait3A_105 : memref<64x32xf32, #tpu.memory_space<vmem_shared>>) dst(%dma_wait3A_102 : memref<64x32xf32, #tpu.memory_space<hbm>>)
          tpu.yield
        }) : () -> ()
      } else {
      }
      %barrier3A_95 = arith.constant 0 : index
      tpu.barrier barrier_id(%barrier3A_95)
      scf.yield %add3A_77, %while3A_80#0 : vector<16xi32>, i32
    }
    %scan3A_15 = arith.constant 9 : i32
    return
  }
}

</mosaic_0001>

<sc_bundles>
// kernel: kernel.3.cloned.1.call-start
scs
__scs_entry_jumppad:
0x0: {  	(pc) =	sbr.rel $0x88, $3  }
0x1: {  	(tag) =	ssettag $0x0;
	lr =	simm.s32 $0x1  }
0x2: {  	[smem:$0x3F9E] =	sst lr;
	_ =	strace $0xD0000000  }
0x3: {  	_ = 	snop  }
0x4: {  	_ = 	snop  }
0x5: {  	_ = 	snop  }
0x6: {  	_ = 	snop  }
0x7: {  	_ = 	snop  }
__scs_overlays_trampoline_lowered:
0x8: {  	[smem:$0x3FAD] =	sst s0  }
0x9: {  	[smem:$0x3FAE] =	sst s1  }
0xa: {  	[smem:$0x3FAF] =	sst s2  }
0xb: {  	[smem:$0x3FB0] =	sst s3  }
0xc: {  	[smem:$0x3FB1] =	sst s4  }
0xd: {  	[smem:$0x3FB2] =	sst s5  }
0xe: {  	[smem:$0x3FB3] =	sst s6  }
0xf: {  	[smem:$0x3FB4] =	sst s7  }
0x10: {  	[smem:$0x3FB5] =	sst s8  }
0x11: {  	[smem:$0x3FB6] =	sst s9;
	s0 =	simm.s32 @!p0 $0x0  }
0x12: {  	s1 =	sld [smem:$0x3F9C];
	s0 =	simm.s32 @p0 $0x1  }
0x13: {  	[smem:$0x3FB7] =	sst s0;
	s0 =	simm.s32 @!p1 $0x0  }
0x14: {  	s2 =	sld [smem:$0x3F9B];
	s0 =	simm.s32 @p1 $0x1  }
0x15: {  	[smem:$0x3FB8] =	sst s0;
	s0 =	simm.s32 @!p2 $0x0  }
0x16: {  	s3 =	sld [smem:$0x3FDB];
	s0 =	simm.s32 @p2 $0x1  }
0x17: {  	s4 =	simm.s32 $0x1BF5;
	[smem:$0x3FBA] =	sst s0  }
0x18: {  	s0 =	sld [smem:$0x3F9D];
	_ =	swait.ge [sflag:s4], $0x0  }
0x19: {  	s7 =	sld [smem:$0x3F9E]  }
0x1a: {  	s8 =	sadd.s32 $0xFFFFE003, lr  }
0x1b: {  	s9 =	sadd.s32 $0xFFFFFEF7, lr;
	s5 =	simm.s32 $0xFFFFFFFF;
	p2 =	slt.u32 s8, $0xFFFFF086  }
0x1c: {  	p1 =	slt.u32 s9, $0xF7A;
	s5 =	simm.s32 @!p2 $0x0  }
0x1d: {  	s5 =	simm.s32 @p1 $0x1;
	p0 =	seq.s32 s7, s2  }
0x1e: {  	s7 =	smul.u32 @!p0 $0xF7A, s2;
	p2 =	seq.s32 @!p0 s5, $0x0  }
0x1f: {  	s9 =	smul.u32 $0xF7A, s1;
	s8 =	simm.s32 @!p0 $0x1BF5;
	p2 =	por !p2, p0  }
0x20: {  	[sflag:s8] =	ssyncset.s32 @!p0 $0xFFFFF086;
	s6 =	sadd.s32 @!p0 s3, s7;
	s7 =	simm.s32 @!p0 $0x108  }
0x21: {  	s3 =	sadd.s32 s3, s9;
	s6 =	sadd.s32 @!p0 $0x88, s6;
	s7 =	simm.s32 @p2 $0x1082  }
0x22: {  	[simem:s7], [sflag:s8] =	dma.local @!p0 [hbm:s6], $0xF7A  }
0x23: {  	s9 =	sor.u32 $0xD0000000, s2;
	s6 =	simm.s32 $0x108;
	_ =	swait.ge @!p0 [sflag:s8], $0x0  }
0x24: {  	s3 =	sadd.s32 $0x88, s3;
	s6 =	simm.s32 @!p1 $0x1082;
	[sflag:s4] =	ssyncset.s32 $0xFFFFF086  }
0x25: {  	[simem:s6], [sflag:s4] =	dma.local [hbm:s3], $0xF7A  }
0x26: {  	[smem:$0x3F9E] =	sst s1;
	(tag) =	ssettag s2;
	_ =	strace s9  }
0x27: {  	s1 =	sld [smem:$0x3FAE]  }
0x28: {  	s2 =	sld [smem:$0x3FAF]  }
0x29: {  	s4 =	sld [smem:$0x3FB1]  }
0x2a: {  	p0 =	seq.s32 s5, $0x0;
	s5 =	sld [smem:$0x3FB2]  }
0x2b: {  	s6 =	sld [smem:$0x3FB3]  }
0x2c: {  	s7 =	sld [smem:$0x3FB4]  }
0x2d: {  	s3 =	simm.s32 $0x108;
	s8 =	sld [smem:$0x3FB5]  }
0x2e: {  	s3 =	simm.s32 @!p0 $0x1082;
	s9 =	sld [smem:$0x3FB6]  }
0x2f: {  	lr =	sadd.s32 s0, s3;
	s0 =	sld [smem:$0x3FAD]  }
0x30: {  	s3 =	sld [smem:$0x3FB0]  }
0x31: {  	[smem:$0x3FB9] =	sst s10  }
0x32: {  	s10 =	sld [smem:$0x3FB7];
	_ =	sdelay $0x3  }
0x33: {  	p0 =	seq.s32 s10, $0x1;
	s10 =	sld [smem:$0x3FB9];
	_ =	sdelay $0x3  }
0x34: {  	[smem:$0x3FB9] =	sst s10  }
0x35: {  	s10 =	sld [smem:$0x3FB8];
	_ =	sdelay $0x3  }
0x36: {  	p1 =	seq.s32 s10, $0x1;
	s10 =	sld [smem:$0x3FB9];
	_ =	sdelay $0x3  }
0x37: {  	[smem:$0x3FB9] =	sst s10  }
0x38: {  	s10 =	sld [smem:$0x3FBA]  }
0x39: {  	_ = 	snop;
	(pc) =	sbr.ind lr, $3  }
0x3a: {  	_ = 	snop  }
0x3b: {  	_ = 	snop  }
0x3c: {  	p2 =	seq.s32 s10, $0x1;
	s10 =	sld [smem:$0x3FB9]  }
0x3d: {  	_ =	shalt  }
0x3e: {  	_ =	shalt  }
0x3f: {  	_ =	shalt  }
0x40: {  	_ =	shalt  }
0x41: {  	_ =	shalt  }
0x42: {  	_ =	shalt  }
0x43: {  	_ =	shalt  }
0x44: {  	_ =	shalt  }
0x45: {  	_ =	shalt  }
0x46: {  	_ =	shalt  }
0x47: {  	_ =	shalt  }
0x48: {  	_ =	shalt  }
0x49: {  	_ =	shalt  }
0x4a: {  	_ =	shalt  }
0x4b: {  	_ =	shalt  }
0x4c: {  	_ =	shalt  }
0x4d: {  	_ =	shalt  }
0x4e: {  	_ =	shalt  }
0x4f: {  	_ =	shalt  }
0x50: {  	_ =	shalt  }
0x51: {  	_ =	shalt  }
0x52: {  	_ =	shalt  }
0x53: {  	_ =	shalt  }
0x54: {  	_ =	shalt  }
0x55: {  	_ =	shalt  }
0x56: {  	_ =	shalt  }
0x57: {  	_ =	shalt  }
0x58: {  	_ =	shalt  }
0x59: {  	_ =	shalt  }
0x5a: {  	_ =	shalt  }
0x5b: {  	_ =	shalt  }
0x5c: {  	_ =	shalt  }
0x5d: {  	_ =	shalt  }
0x5e: {  	_ =	shalt  }
0x5f: {  	_ =	shalt  }
0x60: {  	_ =	shalt  }
0x61: {  	_ =	shalt  }
0x62: {  	_ =	shalt  }
0x63: {  	_ =	shalt  }
0x64: {  	_ =	shalt  }
0x65: {  	_ =	shalt  }
0x66: {  	_ =	shalt  }
0x67: {  	_ =	shalt  }
0x68: {  	_ =	shalt  }
0x69: {  	_ =	shalt  }
0x6a: {  	_ =	shalt  }
0x6b: {  	_ =	shalt  }
0x6c: {  	_ =	shalt  }
0x6d: {  	_ =	shalt  }
0x6e: {  	_ =	shalt  }
0x6f: {  	_ =	shalt  }
0x70: {  	_ =	shalt  }
0x71: {  	_ =	shalt  }
0x72: {  	_ =	shalt  }
0x73: {  	_ =	shalt  }
0x74: {  	_ =	shalt  }
0x75: {  	_ =	shalt  }
0x76: {  	_ =	shalt  }
0x77: {  	_ =	shalt  }
0x78: {  	_ =	shalt  }
0x79: {  	_ =	shalt  }
0x7a: {  	_ =	shalt  }
0x7b: {  	_ =	shalt  }
0x7c: {  	_ =	shalt  }
0x7d: {  	_ =	shalt  }
0x7e: {  	_ =	shalt  }
0x7f: {  	_ =	shalt  }
0x80: {  	_ =	shalt  }
0x81: {  	_ =	shalt  }
0x82: {  	_ =	shalt  }
0x83: {  	_ =	shalt  }
0x84: {  	_ =	shalt  }
0x85: {  	_ =	shalt  }
0x86: {  	_ =	shalt  }
0x87: {  	_ =	shalt  }
.Lfunc_end0:
.L_simem_size_0:
called_computation.1_lowered:
.L_overlay_start_0:
0x88: {  	s2 =	sld [smem:$0x3FD9]  }
0x89: {  	s3 =	sld [smem:$0x3FFE];
	_ =	sdelay $0x1  }
0x8a: {  	s1 =	srdreg.scid  }
0x8b: {  	s0 =	sand.u32 $0x1, s1  }
0x8c: {  	s17 =	sshll.u32 s0, $0xA;
	s2 =	sadd.s32 s3, s2  }
0x8d: {  	s2 =	sadd.s32 s2, s17  }
0x8e: {  	[smem:$0x3FC5] =	sst s2  }
0x8f: {  	_ = 	snop  }
0x90: {  	s2 =	sld [smem:$0x3FC8]  }
0x91: {  	s18 =	sld [smem:$0x3FD0];
	(tm) =	ssettm $0x1  }
0x92: {  	s4 =	sld [smem:$0x3FFB];
	_ =	sdelay $0x3  }
0x93: {  	_ =	strace s4  }
0x94: {  	s4 =	sld [smem:$0x3FFC];
	_ =	sdelay $0x3  }
0x95: {  	_ =	strace s4  }
0x96: {  	s4 =	sld [smem:$0x3FFD];
	_ =	sdelay $0x3  }
0x97: {  	_ =	strace s4  }
0x98: {  	_ =	strace $0x8FFFFFFF  }
0x99: {  	s19 =	sld [smem:$0x3FDB];
	_ =	sdelay $0x1  }
0x9a: {  	s5 =	simm.s32 $_scs_section_size  }
0x9b: {  	s6 =	simm.s32 $_size__tile_overlayer_lowered;
	s7 =	simm.s32 $_tile_overlayer_lowered  }
0x9c: {  	s22 =	simm.s32 $0x1BFF;
	s21 =	sshll.u32 s7, $0x1;
	s4 =	sadd.s32 s5, s19  }
0x9d: {  	s8 =	simm.s32 $0x0;
	s20 =	sshll.u32 s6, $0x1;
	s6 =	sadd.s32 s21, s4  }
0x9e: {  	[timem:s8], [sflag:s22] =	dma.local [hbm:s6], s20  }
0x9f: {  	_ =	swait.ge [sflag:s22], s20  }
0xa0: {  	s5 =	ssub.s32 $0x0, s20;
	[sflag:s22] =	ssyncset.done $0x0  }
0xa1: {  	[sflag:s22] =	ssyncadd.s32 s5;
	_ =	sdelay $0x1  }
0xa2: {  	s23 =	simm.s32 $0x1B8B  }
0xa3: {  	_ =	swait.ge [sflag:s23], $0x1  }
0xa4: {  	[sflag:s23] =	ssyncset.done $0x0  }
0xa5: {  	s25 =	simm.s32 $0x1B8E;
	s24 =	sld [smem:$0x3FFE];
	[sflag:s23] =	ssyncadd.s32 $0xFFFFFFFF  }
0xa6: {  	s26 =	simm.s32 $execute0_lowered;
	[smem:$0x3FD2] =	sst s25  }
0xa7: {  	s6 =	sshll.u32 s26, $0x1;
	_ =	strace $0x80000046;
	[dreg:$0x1] =	wrdreg $0xFFFFFFFF  }
0xa8: {  	s28 =	simm.s32 $_size_execute0_lowered;
	s4 =	sadd.s32 s4, s6;
	[dreg:$0x0] =	wrdreg $0x0  }
0xa9: {  	s6 =	sshll.u32 s28, $0x1;
	[dreg:$0x2] =	wrdreg s4  }
0xaa: {  	[dreg:$0x3] =	wrdreg s6  }
0xab: {  	[dreg:$0x4] =	wrdreg $0xC0  }
0xac: {  	_ =	task [dreg:s8], $0x5FFFF  }
0xad: {  	[dreg:$0x1] =	wrdreg $0xFFFFFFFF  }
0xae: {  	[dreg:$0x0] =	wrdreg $0x60  }
0xaf: {  	[dreg:$0x2] =	wrdreg s18  }
0xb0: {  	[dreg:$0x3] =	wrdreg s2  }
0xb1: {  	[dreg:$0x4] =	wrdreg s24  }
0xb2: {  	[dreg:$0x5] =	wrdreg $0x41000  }
0xb3: {  	[dreg:$0x6] =	wrdreg $0x9  }
0xb4: {  	_ =	task.clear_ibuf [dreg:s8], $0x7FFFF;
	_ =	strace $0x90000046  }
0xb5: {  	s29 =	simm.s32 $0x9;
	_ =	strace $0x80000048  }
0xb6: {  	_ =	swait.ge [sflag:s29], $0x1  }
0xb7: {  	[sflag:s29] =	ssyncadd.s32 $0xFFFFFFFF  }
0xb8: {  	_ =	strace $0x90000048  }
0xb9: {  	_ =	sfence  }
0xba: {  	s30 =	sld [smem:$0x0];
	_ =	sdelay $0x2  }
0xbb: {  	s31 =	sshll.u32 s1, $0xD;
	s1 =	sshrl.u32 s1, $0x2  }
0xbc: {  	s3 =	sand.u32 $0x4000, s31;
	s1 =	sadd.s32 s1, s30  }
0xbd: {  	s0 =	sor.u32 s3, s0;
	s1 =	sshll.u32 s1, $0x11  }
0xbe: {  	s0 =	sor.u32 s1, s0  }
0xbf: {  	s0 =	sadd.s32 $0x8F2B, s0  }
0xc0: {  	[sflag:s0] =	ssyncadd.remote.s32 $0x1  }
0xc1: {  	_ =	sfence.sel $0xFFFF  }
0xc2: {  	[dreg:$0x0] =	wrdreg $0xFFFFFFFF;
	(pc) =	sbr.abs _section_cstart, $3  }
0xc3: {  	[dreg:$0x1] =	wrdreg $0xFFFFFFFF  }
0xc4: {  	_ =	task.clear_ibuf [dreg:s8], $0x2FFFF;
	_ =	strace $0x9FFFFFFF  }
0xc5: {  	(tm) =	ssettm $0x7FFFFFFF  }
tec
execute0_lowered:
.L_overlay_start_1:
0x0: {  	(tag) =	ssettag $0x1  }
0x1: {  	s0 =	rddreg [dreg:$0x0]  }
0x2: {  	s1 =	rddreg [dreg:$0x1]  }
0x3: {  	s3 =	rddreg [dreg:$0x2]  }
0x4: {  	s2 =	rddreg [dreg:$0x3];
	s17 =	simm.s32 $0x0  }
0x5: {  	s10 =	stileid.u32;
	s4 =	srdreg.scid;
	s19 =	simm.s32 $0x2  }
0x6: {  	s20 =	simm.s32 $0x1D00;
	s21 =	simm.s32 $0x1900;
	s5 =	smul.u32 $0xC800, s10  }
0x7: {  	s22 =	simm.s32 $0x100;
	s23 =	simm.s32 $0x2100;
	s6 =	smul.u32 $0xDF0, s10  }
0x8: {  	s24 =	simm.s32 $0x1;
	[smem:$0x7FF] =	sst s17;
	s25 =	smul.u32 $0x1BE00, s10  }
0x9: {  	s4 =	sand.u32 $0x1, s4;
	s8 =	sadd.s32 $0xC80800, s3;
	s9 =	smul.u32 $0xE600, s10  }
0xa: {  	s13 =	sadd.s32 $0x800, s3;
	s12 =	smul.u32 $0x39800, s10;
	s29 =	sshll.u32 s10, $0x6  }
0xb: {  	s15 =	sadd.s32 $0x3D1000, s3;
	s16 =	sadd.s32 $0xE6000, s2;
	_ =	strace $0x80000047  }
0xc: {  	[dreg:$0x6] =	wrdreg s4;
	s4 =	ssub.s32 $0x2, s4;
	s11 =	smov.u32 s13  }
0xd: {  	[dreg:$0x7] =	wrdreg s6;
	s7 =	sshrl.u32 s4, $0x1;
	s26 =	sshrl.u32 s25, $0x3  }
0xe: {  	s18 =	sadd.s32 s25, s2;
	s28 =	sshrl.u32 s9, $0x3;
	s30 =	sshrl.u32 s12, $0x2  }
.Ltmp0:
0xf: {  	s12 =	sor.u32 $0x1C02, s29;
	s25 =	simm.s32 $0x80;
	(pc) =	sbr.rel .LBB2_1-.Ltmp0, $4  }
0x10: {  	s4 =	ssub.s32 s4, s7;
	s0 =	sadd.s32 s0, s26;
	s14 =	sadd.s32 s30, s2  }
0x11: {  	[dreg:$0x8] =	wrdreg s0;
	s0 =	sadd.s32 s13, s28;
	s31 =	smax.u32 s4, $0x1  }
0x12: {  	s26 =	simm.s32 $0x3100;
	s0 =	sadd.s32 $0x3B3C00, s0;
	[dreg:$0xa] =	wrdreg s31  }
0x13: {  	v0 =	vimm.s32 $0x0;
	v1 =	vlaneseq.u32;
	s13 =	smov.u32 s18;
	s18 =	sshrl.u32 s18, $0x3;
	[dreg:$0x9] =	wrdreg s0  }
.LBB2_21:
0x14: {  	s17 =	rddreg [dreg:$0x5]  }
0x15: {  	s0 =	rddreg [dreg:$0xa];
	s17 =	sadd.s32 $0x1, s17  }
0x16: {  	p0 =	sne.s32 s17, s0  }
.Ltmp1:
0x17: {  	_ = 	snop;
	(pc) =	sbr.rel @!p0 .LBB2_22-.Ltmp1, $1  }
0x18: {  	_ =	sdelay $0x3  }
.LBB2_1:
.Ltmp2:
0x19: {  	(pc) =	sbr.rel .LBB2_2-.Ltmp2, $2  }
0x1a: {  	_ =	sdelay $0x2  }
0x1b: {  	[dreg:$0x5] =	wrdreg s17;
	s28 =	simm.s32 $0x0;
	v3 =	vimm.s32 $0x0;
	s29 =	simm.s32 $0x0  }
.LBB2_19:
0x1c: {  	s4 =	sadd.s32 $0x1D00, s3;
	[sflag:s19] =	ssyncadd.s32 @p0 $0xFFFFF000  }
0x1d: {  	[tilespmem:s23], [sflag:$0x1] =	stream.indirect.gather [hbm4b:s8+s22], $0x20, s4, s22, $0xb8;
	[tilespmem:$0x1FF20] =	vst v63  }
0x1e: {  	_ =	swait.ge [sflag:s24], $0x2000  }
0x1f: {  	[sflag:s24] =	ssyncset.done $0x0  }
0x20: {  	s10 =	sadd.s32 $0x1900, s3;
	[sflag:s24] =	ssyncadd.s32 $0xFFFFE000  }
0x21: {  	[spmem:s2] =	stream.indirect.scatter.add.f32 [tilespmem:s23], [sflag:$0x2], $0x20, s10, s25, $0xb8;
	[tilespmem:$0x1FF20] =	vst v63  }
0x22: {  	_ =	swait.ge [sflag:s19], $0x1000  }
0x23: {  	[sflag:s19] =	ssyncset.done $0x0  }
0x24: {  	s17 =	sadd.s32 $0x1980, s3;
	[sflag:s19] =	ssyncadd.s32 $0xFFFFF000  }
0x25: {  	[spmem:s2] =	stream.indirect.scatter.add.f32 [tilespmem:s26], [sflag:$0x2], $0x20, s17, s25, $0xb8;
	[tilespmem:$0x1FF20] =	vst v63  }
0x26: {  	_ =	swait.ge [sflag:s19], $0x1000  }
0x27: {  	[sflag:s19] =	ssyncset.done $0x0  }
0x28: {  	s28 =	sadd.s32 $0x100, s28;
	[sflag:s19] =	ssyncadd.s32 $0xFFFFF000  }
.LBB2_20:
0x29: {  	p0 =	seq.s32 s31, $0x11;
	[bflag:$0x0] =	sbarrier.arrive $0xFFFF  }
0x2a: {  	s3 =	sshrl.u32 @p0 s14, $0x3;
	s4 =	rddreg [dreg:$0x9]  }
0x2b: {  	[hbm:s4], [sflag:s12] =	dma.local @p0 [spmem:s3], $0x1CC0  }
0x2c: {  	s3 =	simm.s32 @p0 $0x2;
	s4 =	stileid.u32  }
0x2d: {  	p1 =	sne.s32 @p0 s4, $0x0;
	_ =	swait.ge @p0 [sflag:s3], $0x1CC0  }
0x2e: {  	[sflag:s3] =	ssyncset.done @p0 $0x0;
	p1 =	por p1, !p0  }
0x2f: {  	[sflag:s3] =	ssyncadd.s32 @p0 $0xFFFFE340;
	s3 =	sshrl.u32 @!p1 s16, $0x3  }
0x30: {  	[hbm:s15], [sflag:s12] =	dma.local @!p1 [spmem:s3], $0x100  }
0x31: {  	s3 =	simm.s32 @!p1 $0x2  }
0x32: {  	_ =	swait.ge @!p1 [sflag:s3], $0x100  }
0x33: {  	s4 =	rddreg [dreg:$0x7]  }
0x34: {  	s4 =	sadd.s32 @!p0 s4, s30  }
0x35: {  	[sflag:s3] =	ssyncset.done @!p1 $0x0;
	s4 =	sshll.u32 @!p0 s4, $0x2  }
0x36: {  	[sflag:s3] =	ssyncadd.s32 @!p1 $0xFFFFFF00;
	s3 =	sadd.s32 @!p0 s11, s4;
	s4 =	sshrl.u32 @!p0 s13, $0x3  }
0x37: {  	[hbm:s3], [sflag:s12] =	dma.local @!p0 [spmem:s4], $0x37C0  }
0x38: {  	s3 =	simm.s32 @!p0 $0x2  }
0x39: {  	_ =	swait.ge @!p0 [sflag:s3], $0x37C0  }
0x3a: {  	s29 =	sadd.s32 $0x1, s29;
	[sflag:s3] =	ssyncset.done @!p0 $0x0  }
0x3b: {  	[sflag:s3] =	ssyncadd.s32 @!p0 $0xFFFFC840;
	p0 =	sne.s32 s29, $0x9  }
.Ltmp3:
0x3c: {  	_ = 	snop;
	(pc) =	sbr.rel @!p0 .LBB2_21-.Ltmp3, $3  }
0x3d: {  	_ =	sdelay $0x1  }
0x3e: {  	[bflag:$0x0] =	sbarrier.arrive $0xFFFF  }
0x3f: {  	v3 =	vadd.s32 s0, v3  }
.LBB2_2:
0x40: {  	s0 =	sshll.u32 s29, $0x1;
	s3 =	rddreg [dreg:$0x8]  }
0x41: {  	[spmem:s18], [sflag:s12] =	dma.local [hbm:s3], $0x37C0  }
.Ltmp4:
0x42: {  	s3 =	rddreg [dreg:$0x6];
	_ =	swait.ge [sflag:s19], $0x37C0;
	(pc) =	sbr.rel .LBB2_3-.Ltmp4, $4  }
0x43: {  	s31 =	sor.u32 s3, s0;
	[sflag:s19] =	ssyncset.done $0x0  }
0x44: {  	s30 =	smul.u32 $0xDF00, s31;
	[sflag:s19] =	ssyncadd.s32 $0xFFFFC840  }
0x45: {  	[bflag:$0x0] =	sbarrier.arrive $0xFFFF  }
0x46: {  	s17 =	simm.s32 $0x0;
	s0 =	simm.s32 $0x0;
	v2 =	vmov s30  }
.LBB2_10:
0x47: {  	s17 =	sadd.s32 $0x1, s17  }
0x48: {  	p0 =	sne.s32 s17, $0x8  }
.Ltmp5:
0x49: {  	_ = 	snop;
	(pc) =	sbr.rel @!p0 .LBB2_11-.Ltmp5, $1  }
0x4a: {  	_ =	sdelay $0x3  }
.LBB2_3:
0x4b: {  	s3 =	smul.u32 $0x1900, s17;
	_ =	sdelay $0x1  }
0x4c: {  	s4 =	sadd.s32 s5, s3  }
0x4d: {  	s3 =	sshrl.u32 s4, $0x3  }
.Ltmp6:
0x4e: {  	s3 =	sadd.s32 s1, s3;
	(pc) =	sbr.rel .LBB2_4-.Ltmp6, $4  }
0x4f: {  	[tilespmem:s0], [sflag:$0x2] =	stream.linear.gather [hbm4b:s3+s0], $0x1900, $0x38;
	[tilespmem:$0x1FF20] =	vst v63  }
0x50: {  	_ =	swait.ge [sflag:s19], $0x1900  }
0x51: {  	[sflag:s19] =	ssyncset.done $0x0  }
0x52: {  	s3 =	simm.s32 $0x0;
	[sflag:s19] =	ssyncadd.s32 $0xFFFFE700  }
.LBB2_8:
0x53: {  	s9 =	sadd.s32 $0x1D00, s7;
	[sflag:s19] =	ssyncadd.s32 @p0 $0xFFFFF000  }
0x54: {  	[tilespmem:s23], [sflag:$0x1] =	stream.indirect.gather [hbm4b:s8+s22], $0x20, s9, s22, $0xb8;
	[tilespmem:$0x1FF20] =	vst v63  }
0x55: {  	_ =	swait.ge [sflag:s24], $0x2000  }
0x56: {  	[sflag:s24] =	ssyncset.done $0x0  }
0x57: {  	s10 =	sadd.s32 $0x1900, s7;
	[sflag:s24] =	ssyncadd.s32 $0xFFFFE000  }
0x58: {  	[spmem:s2] =	stream.indirect.scatter.add.f32 [tilespmem:s23], [sflag:$0x2], $0x20, s10, s25, $0xb8;
	[tilespmem:$0x1FF20] =	vst v63  }
0x59: {  	_ =	swait.ge [sflag:s19], $0x1000  }
0x5a: {  	[sflag:s19] =	ssyncset.done $0x0  }
0x5b: {  	s10 =	sadd.s32 $0x1980, s7;
	[sflag:s19] =	ssyncadd.s32 $0xFFFFF000  }
0x5c: {  	[spmem:s2] =	stream.indirect.scatter.add.f32 [tilespmem:s26], [sflag:$0x2], $0x20, s10, s25, $0xb8;
	[tilespmem:$0x1FF20] =	vst v63  }
0x5d: {  	_ =	swait.ge [sflag:s19], $0x1000  }
0x5e: {  	[sflag:s19] =	ssyncset.done $0x0  }
0x5f: {  	s28 =	sadd.s32 $0x100, s28;
	[sflag:s19] =	ssyncadd.s32 $0xFFFFF000  }
.LBB2_9:
0x60: {  	s3 =	sadd.s32 $0x1, s3  }
0x61: {  	p0 =	sne.s32 s3, $0x19  }
.Ltmp7:
0x62: {  	_ = 	snop;
	(pc) =	sbr.rel @!p0 .LBB2_10-.Ltmp7, $1  }
0x63: {  	_ =	sdelay $0x3  }
.LBB2_4:
0x64: {  	s7 =	sshll.u32 s3, $0x8  }
0x65: {  	v4 =	vld [tilespmem:s7+$0x0];
	_ =	sdelay $0x4  }
0x66: {  	v4 =	vsub.s32 v4, v2  }
0x67: {  	vm0 =	vlt.u32 v4, $0xDF00  }
0x68: {  	v5 =	vsel vm0, $0x1, v0  }
0x69: {  	(xrf0) =	vadd.scan.msk.s32 $0xffff, v5;
	_ =	sdelay $0x5  }
0x6a: {  	v6 =	vadd.s32 $0xFFFFFFFF, v3;
	v5, _, _ =	vpop (xrf0)  }
0x6b: {  	v5 =	vadd.s32 v5, v6  }
0x6c: {  	v5 =	vand.u32 $0x3FF, v5;
	_ =	sdelay $0x2  }
0x6d: {  	s6 =	sadd.s32 s4, s7  }
0x6e: {  	v32 =	vor.u32 s6, v1  }
0x6f: {  	[tilespmem:v5+s20+$0x0] =	vst.idx.msk vm0, v32  }
0x70: {  	[tilespmem:v5+s21+$0x0] =	vst.idx.msk vm0, v4  }
0x71: {  	v4 =	vld [tilespmem:s7+$0x10];
	_ =	sdelay $0x4  }
0x72: {  	v4 =	vsub.s32 v4, v2  }
0x73: {  	vm1 =	vlt.u32 v4, $0xDF00  }
0x74: {  	v5 =	vsel vm1, $0x1, v0  }
0x75: {  	(xrf0) =	vadd.scan.msk.s32 $0xffff, v5;
	_ =	sdelay $0x1  }
0x76: {  	v5 =	vmpcnt.ones.xlane vm0;
	_ =	sdelay $0x2  }
0x77: {  	v3 =	vadd.s32 v3, v5  }
0x78: {  	v33 =	vadd.s32 $0xFFFFFFFF, v3;
	v5, _, _ =	vpop (xrf0)  }
0x79: {  	v5 =	vadd.s32 v5, v33  }
0x7a: {  	v5 =	vand.u32 $0x3FF, v5;
	_ =	sdelay $0x2  }
0x7b: {  	s9 =	sor.u32 $0x10, s6  }
0x7c: {  	v34 =	vor.u32 s9, v1  }
0x7d: {  	[tilespmem:v5+s20+$0x0] =	vst.idx.msk vm1, v34  }
0x7e: {  	[tilespmem:v5+s21+$0x0] =	vst.idx.msk vm1, v4  }
0x7f: {  	v4 =	vld [tilespmem:s7+$0x20];
	_ =	sdelay $0x4  }
0x80: {  	v4 =	vsub.s32 v4, v2  }
0x81: {  	vm14 =	vlt.u32 v4, $0xDF00  }
0x82: {  	v5 =	vsel vm14, $0x1, v0  }
0x83: {  	(xrf0) =	vadd.scan.msk.s32 $0xffff, v5;
	_ =	sdelay $0x1  }
0x84: {  	v5 =	vmpcnt.ones.xlane vm1;
	_ =	sdelay $0x2  }
0x85: {  	v3 =	vadd.s32 v3, v5  }
0x86: {  	v35 =	vadd.s32 $0xFFFFFFFF, v3;
	v5, _, _ =	vpop (xrf0)  }
0x87: {  	v5 =	vadd.s32 v5, v35  }
0x88: {  	v5 =	vand.u32 $0x3FF, v5;
	_ =	sdelay $0x2  }
0x89: {  	s10 =	sor.u32 $0x20, s6  }
0x8a: {  	v36 =	vor.u32 s10, v1  }
0x8b: {  	[tilespmem:v5+s20+$0x0] =	vst.idx.msk vm14, v36  }
0x8c: {  	[tilespmem:v5+s21+$0x0] =	vst.idx.msk vm14, v4  }
0x8d: {  	v4 =	vld [tilespmem:s7+$0x30];
	_ =	sdelay $0x4  }
0x8e: {  	v4 =	vsub.s32 v4, v2  }
0x8f: {  	vm15 =	vlt.u32 v4, $0xDF00  }
0x90: {  	v5 =	vsel vm15, $0x1, v0  }
0x91: {  	(xrf0) =	vadd.scan.msk.s32 $0xffff, v5;
	_ =	sdelay $0x1  }
0x92: {  	v5 =	vmpcnt.ones.xlane vm14;
	_ =	sdelay $0x2  }
0x93: {  	v3 =	vadd.s32 v3, v5  }
0x94: {  	v37 =	vadd.s32 $0xFFFFFFFF, v3;
	v5, _, _ =	vpop (xrf0)  }
0x95: {  	v5 =	vadd.s32 v5, v37  }
0x96: {  	v5 =	vand.u32 $0x3FF, v5;
	_ =	sdelay $0x2  }
0x97: {  	s10 =	sor.u32 $0x30, s6  }
0x98: {  	v38 =	vor.u32 s10, v1  }
0x99: {  	[tilespmem:v5+s20+$0x0] =	vst.idx.msk vm15, v38  }
0x9a: {  	[tilespmem:v5+s21+$0x0] =	vst.idx.msk vm15, v4  }
0x9b: {  	v4 =	vld [tilespmem:s7+$0x40];
	_ =	sdelay $0x4  }
0x9c: {  	v4 =	vsub.s32 v4, v2  }
0x9d: {  	vm4 =	vlt.u32 v4, $0xDF00  }
0x9e: {  	v5 =	vsel vm4, $0x1, v0  }
0x9f: {  	(xrf0) =	vadd.scan.msk.s32 $0xffff, v5;
	_ =	sdelay $0x1  }
0xa0: {  	v5 =	vmpcnt.ones.xlane vm15;
	_ =	sdelay $0x2  }
0xa1: {  	v3 =	vadd.s32 v3, v5  }
0xa2: {  	v39 =	vadd.s32 $0xFFFFFFFF, v3;
	v5, _, _ =	vpop (xrf0)  }
0xa3: {  	v5 =	vadd.s32 v5, v39  }
0xa4: {  	v5 =	vand.u32 $0x3FF, v5;
	_ =	sdelay $0x2  }
0xa5: {  	s10 =	sor.u32 $0x40, s6  }
0xa6: {  	v40 =	vor.u32 s10, v1  }
0xa7: {  	[tilespmem:v5+s20+$0x0] =	vst.idx.msk vm4, v40  }
0xa8: {  	[tilespmem:v5+s21+$0x0] =	vst.idx.msk vm4, v4  }
0xa9: {  	v4 =	vld [tilespmem:s7+$0x50];
	_ =	sdelay $0x4  }
0xaa: {  	v4 =	vsub.s32 v4, v2  }
0xab: {  	vm5 =	vlt.u32 v4, $0xDF00  }
0xac: {  	v5 =	vsel vm5, $0x1, v0  }
0xad: {  	(xrf0) =	vadd.scan.msk.s32 $0xffff, v5;
	_ =	sdelay $0x1  }
0xae: {  	v5 =	vmpcnt.ones.xlane vm4;
	_ =	sdelay $0x2  }
0xaf: {  	v3 =	vadd.s32 v3, v5  }
0xb0: {  	v41 =	vadd.s32 $0xFFFFFFFF, v3;
	v5, _, _ =	vpop (xrf0)  }
0xb1: {  	v5 =	vadd.s32 v5, v41  }
0xb2: {  	v5 =	vand.u32 $0x3FF, v5;
	_ =	sdelay $0x2  }
0xb3: {  	s10 =	sor.u32 $0x50, s6  }
0xb4: {  	v42 =	vor.u32 s10, v1  }
0xb5: {  	[tilespmem:v5+s20+$0x0] =	vst.idx.msk vm5, v42  }
0xb6: {  	[tilespmem:v5+s21+$0x0] =	vst.idx.msk vm5, v4  }
0xb7: {  	v4 =	vld [tilespmem:s7+$0x60];
	_ =	sdelay $0x4  }
0xb8: {  	v4 =	vsub.s32 v4, v2  }
0xb9: {  	vm6 =	vlt.u32 v4, $0xDF00  }
0xba: {  	v5 =	vsel vm6, $0x1, v0  }
0xbb: {  	(xrf0) =	vadd.scan.msk.s32 $0xffff, v5;
	_ =	sdelay $0x1  }
0xbc: {  	v5 =	vmpcnt.ones.xlane vm5;
	_ =	sdelay $0x2  }
0xbd: {  	v3 =	vadd.s32 v3, v5  }
0xbe: {  	v43 =	vadd.s32 $0xFFFFFFFF, v3;
	v5, _, _ =	vpop (xrf0)  }
0xbf: {  	v5 =	vadd.s32 v5, v43  }
0xc0: {  	v5 =	vand.u32 $0x3FF, v5;
	_ =	sdelay $0x2  }
0xc1: {  	s10 =	sor.u32 $0x60, s6  }
0xc2: {  	v44 =	vor.u32 s10, v1  }
0xc3: {  	[tilespmem:v5+s20+$0x0] =	vst.idx.msk vm6, v44  }
0xc4: {  	[tilespmem:v5+s21+$0x0] =	vst.idx.msk vm6, v4  }
0xc5: {  	v4 =	vld [tilespmem:s7+$0x70];
	_ =	sdelay $0x4  }
0xc6: {  	v4 =	vsub.s32 v4, v2  }
0xc7: {  	vm7 =	vlt.u32 v4, $0xDF00  }
0xc8: {  	v5 =	vsel vm7, $0x1, v0  }
0xc9: {  	(xrf0) =	vadd.scan.msk.s32 $0xffff, v5;
	_ =	sdelay $0x1  }
0xca: {  	v5 =	vmpcnt.ones.xlane vm6;
	_ =	sdelay $0x2  }
0xcb: {  	v3 =	vadd.s32 v3, v5  }
0xcc: {  	v45 =	vadd.s32 $0xFFFFFFFF, v3;
	v5, _, _ =	vpop (xrf0)  }
0xcd: {  	v5 =	vadd.s32 v5, v45  }
0xce: {  	v5 =	vand.u32 $0x3FF, v5;
	_ =	sdelay $0x2  }
0xcf: {  	s10 =	sor.u32 $0x70, s6  }
0xd0: {  	v46 =	vor.u32 s10, v1  }
0xd1: {  	[tilespmem:v5+s20+$0x0] =	vst.idx.msk vm7, v46  }
0xd2: {  	[tilespmem:v5+s21+$0x0] =	vst.idx.msk vm7, v4  }
0xd3: {  	v4 =	vld [tilespmem:s7+$0x80];
	_ =	sdelay $0x4  }
0xd4: {  	v4 =	vsub.s32 v4, v2  }
0xd5: {  	vm8 =	vlt.u32 v4, $0xDF00  }
0xd6: {  	v5 =	vsel vm8, $0x1, v0  }
0xd7: {  	(xrf0) =	vadd.scan.msk.s32 $0xffff, v5;
	_ =	sdelay $0x1  }
0xd8: {  	v5 =	vmpcnt.ones.xlane vm7;
	_ =	sdelay $0x2  }
0xd9: {  	v3 =	vadd.s32 v3, v5  }
0xda: {  	v47 =	vadd.s32 $0xFFFFFFFF, v3;
	v5, _, _ =	vpop (xrf0)  }
0xdb: {  	v5 =	vadd.s32 v5, v47  }
0xdc: {  	v5 =	vand.u32 $0x3FF, v5;
	_ =	sdelay $0x2  }
0xdd: {  	s10 =	sor.u32 $0x80, s6  }
0xde: {  	v48 =	vor.u32 s10, v1  }
0xdf: {  	[tilespmem:v5+s20+$0x0] =	vst.idx.msk vm8, v48  }
0xe0: {  	[tilespmem:v5+s21+$0x0] =	vst.idx.msk vm8, v4  }
0xe1: {  	v4 =	vld [tilespmem:s7+$0x90];
	_ =	sdelay $0x4  }
0xe2: {  	v4 =	vsub.s32 v4, v2  }
0xe3: {  	vm9 =	vlt.u32 v4, $0xDF00  }
0xe4: {  	v5 =	vsel vm9, $0x1, v0  }
0xe5: {  	(xrf0) =	vadd.scan.msk.s32 $0xffff, v5;
	_ =	sdelay $0x1  }
0xe6: {  	v5 =	vmpcnt.ones.xlane vm8;
	_ =	sdelay $0x2  }
0xe7: {  	v3 =	vadd.s32 v3, v5  }
0xe8: {  	v49 =	vadd.s32 $0xFFFFFFFF, v3;
	v5, _, _ =	vpop (xrf0)  }
0xe9: {  	v5 =	vadd.s32 v5, v49  }
0xea: {  	v5 =	vand.u32 $0x3FF, v5;
	_ =	sdelay $0x2  }
0xeb: {  	s10 =	sor.u32 $0x90, s6  }
0xec: {  	v50 =	vor.u32 s10, v1  }
0xed: {  	[tilespmem:v5+s20+$0x0] =	vst.idx.msk vm9, v50  }
0xee: {  	[tilespmem:v5+s21+$0x0] =	vst.idx.msk vm9, v4  }
0xef: {  	v4 =	vld [tilespmem:s7+$0xA0];
	_ =	sdelay $0x4  }
0xf0: {  	v4 =	vsub.s32 v4, v2  }
0xf1: {  	vm10 =	vlt.u32 v4, $0xDF00  }
0xf2: {  	v5 =	vsel vm10, $0x1, v0  }
0xf3: {  	(xrf0) =	vadd.scan.msk.s32 $0xffff, v5;
	_ =	sdelay $0x1  }
0xf4: {  	v5 =	vmpcnt.ones.xlane vm9;
	_ =	sdelay $0x2  }
0xf5: {  	v3 =	vadd.s32 v3, v5  }
0xf6: {  	v51 =	vadd.s32 $0xFFFFFFFF, v3;
	v5, _, _ =	vpop (xrf0)  }
0xf7: {  	v5 =	vadd.s32 v5, v51  }
0xf8: {  	v5 =	vand.u32 $0x3FF, v5;
	_ =	sdelay $0x2  }
0xf9: {  	s10 =	sor.u32 $0xA0, s6  }
0xfa: {  	v52 =	vor.u32 s10, v1  }
0xfb: {  	[tilespmem:v5+s20+$0x0] =	vst.idx.msk vm10, v52  }
0xfc: {  	[tilespmem:v5+s21+$0x0] =	vst.idx.msk vm10, v4  }
0xfd: {  	v4 =	vld [tilespmem:s7+$0xB0];
	_ =	sdelay $0x4  }
0xfe: {  	v4 =	vsub.s32 v4, v2  }
0xff: {  	vm11 =	vlt.u32 v4, $0xDF00  }
0x100: {  	v5 =	vsel vm11, $0x1, v0  }
0x101: {  	(xrf0) =	vadd.scan.msk.s32 $0xffff, v5;
	_ =	sdelay $0x1  }
0x102: {  	v5 =	vmpcnt.ones.xlane vm10;
	_ =	sdelay $0x2  }
0x103: {  	v3 =	vadd.s32 v3, v5  }
0x104: {  	v53 =	vadd.s32 $0xFFFFFFFF, v3;
	v5, _, _ =	vpop (xrf0)  }
0x105: {  	v5 =	vadd.s32 v5, v53  }
0x106: {  	v5 =	vand.u32 $0x3FF, v5;
	_ =	sdelay $0x2  }
0x107: {  	s10 =	sor.u32 $0xB0, s6  }
0x108: {  	v54 =	vor.u32 s10, v1  }
0x109: {  	[tilespmem:v5+s20+$0x0] =	vst.idx.msk vm11, v54  }
0x10a: {  	[tilespmem:v5+s21+$0x0] =	vst.idx.msk vm11, v4  }
0x10b: {  	v4 =	vld [tilespmem:s7+$0xC0];
	_ =	sdelay $0x4  }
0x10c: {  	v4 =	vsub.s32 v4, v2  }
0x10d: {  	vm12 =	vlt.u32 v4, $0xDF00  }
0x10e: {  	v5 =	vsel vm12, $0x1, v0  }
0x10f: {  	(xrf0) =	vadd.scan.msk.s32 $0xffff, v5;
	_ =	sdelay $0x1  }
0x110: {  	v5 =	vmpcnt.ones.xlane vm11;
	_ =	sdelay $0x2  }
0x111: {  	v3 =	vadd.s32 v3, v5  }
0x112: {  	v55 =	vadd.s32 $0xFFFFFFFF, v3;
	v5, _, _ =	vpop (xrf0)  }
0x113: {  	v5 =	vadd.s32 v5, v55  }
0x114: {  	v5 =	vand.u32 $0x3FF, v5;
	_ =	sdelay $0x2  }
0x115: {  	s10 =	sor.u32 $0xC0, s6  }
0x116: {  	v56 =	vor.u32 s10, v1  }
0x117: {  	[tilespmem:v5+s20+$0x0] =	vst.idx.msk vm12, v56  }
0x118: {  	[tilespmem:v5+s21+$0x0] =	vst.idx.msk vm12, v4  }
0x119: {  	v4 =	vld [tilespmem:s7+$0xD0];
	_ =	sdelay $0x4  }
0x11a: {  	v4 =	vsub.s32 v4, v2  }
0x11b: {  	vm13 =	vlt.u32 v4, $0xDF00  }
0x11c: {  	v5 =	vsel vm13, $0x1, v0  }
0x11d: {  	(xrf0) =	vadd.scan.msk.s32 $0xffff, v5;
	_ =	sdelay $0x1  }
0x11e: {  	v5 =	vmpcnt.ones.xlane vm12;
	_ =	sdelay $0x2  }
0x11f: {  	v3 =	vadd.s32 v3, v5  }
0x120: {  	v57 =	vadd.s32 $0xFFFFFFFF, v3;
	v5, _, _ =	vpop (xrf0)  }
0x121: {  	v5 =	vadd.s32 v5, v57  }
0x122: {  	v5 =	vand.u32 $0x3FF, v5;
	_ =	sdelay $0x2  }
0x123: {  	s10 =	sor.u32 $0xD0, s6  }
0x124: {  	v58 =	vor.u32 s10, v1  }
0x125: {  	[tilespmem:v5+s20+$0x0] =	vst.idx.msk vm13, v58  }
0x126: {  	[tilespmem:v5+s21+$0x0] =	vst.idx.msk vm13, v4  }
0x127: {  	v4 =	vld [tilespmem:s7+$0xE0];
	_ =	sdelay $0x4  }
0x128: {  	v4 =	vsub.s32 v4, v2  }
0x129: {  	vm14 =	vlt.u32 v4, $0xDF00  }
0x12a: {  	v5 =	vsel vm14, $0x1, v0  }
0x12b: {  	(xrf0) =	vadd.scan.msk.s32 $0xffff, v5;
	_ =	sdelay $0x1  }
0x12c: {  	v5 =	vmpcnt.ones.xlane vm13;
	_ =	sdelay $0x2  }
0x12d: {  	v3 =	vadd.s32 v3, v5  }
0x12e: {  	v59 =	vadd.s32 $0xFFFFFFFF, v3;
	v5, _, _ =	vpop (xrf0)  }
0x12f: {  	v5 =	vadd.s32 v5, v59  }
0x130: {  	v5 =	vand.u32 $0x3FF, v5;
	_ =	sdelay $0x2  }
0x131: {  	s10 =	sor.u32 $0xE0, s6  }
0x132: {  	v60 =	vor.u32 s10, v1  }
0x133: {  	[tilespmem:v5+s20+$0x0] =	vst.idx.msk vm14, v60  }
0x134: {  	[tilespmem:v5+s21+$0x0] =	vst.idx.msk vm14, v4  }
0x135: {  	v4 =	vld [tilespmem:s7+$0xF0];
	_ =	sdelay $0x4  }
0x136: {  	v4 =	vsub.s32 v4, v2  }
0x137: {  	v5 =	vmpcnt.ones.xlane vm14;
	vm15 =	vlt.u32 v4, $0xDF00  }
0x138: {  	v61 =	vmpcnt.ones.xlane vm15  }
0x139: {  	v5 =	vadd.s32 v3, v5  }
0x13a: {  	v3 =	vadd.s32 v5, v61  }
0x13b: {  	(v2sf) =	vpush v3, $0x0;
	_ =	sdelay $0x6  }
0x13c: {  	v62 =	vsel vm15, $0x1, v0  }
0x13d: {  	(xrf0) =	vadd.scan.msk.s32 $0xffff, v62;
	_ =	sdelay $0x5  }
0x13e: {  	v5 =	vadd.s32 $0xFFFFFFFF, v5;
	v6, _, _ =	vpop (xrf0)  }
0x13f: {  	s10 =	sor.u32 $0xF0, s6;
	v5 =	vadd.s32 v6, v5;
	s6 =	spop (v2sf)  }
0x140: {  	v5 =	vand.u32 $0x3FF, v5;
	s7 =	ssub.s32 s6, s28  }
0x141: {  	p0 =	slt.s32 s7, $0x100  }
.Ltmp8:
0x142: {  	_ = 	snop;
	(pc) =	sbr.rel @p0 .LBB2_9-.Ltmp8, $4  }
0x143: {  	_ = 	snop  }
0x144: {  	v63 =	vor.u32 s10, v1  }
0x145: {  	[tilespmem:v5+s20+$0x0] =	vst.idx.msk vm15, v63  }
0x146: {  	[tilespmem:v5+s21+$0x0] =	vst.idx.msk vm15, v4  }
0x147: {  	s9 =	sadd.s32 $0xFFFFFF00, s7  }
0x148: {  	p1 =	sgt.s32 s9, $0xFF  }
.Ltmp9:
0x149: {  	_ = 	snop;
	(pc) =	sbr.rel @!p1 .LBB2_8-.Ltmp9, $2  }
0x14a: {  	_ =	sdelay $0x2  }
0x14b: {  	s7 =	sand.u32 $0x380, s28;
	p0 =	por $0x0, $0x0  }
0x14c: {  	s10 =	sadd.s32 $0x1D00, s7  }
0x14d: {  	[tilespmem:s23], [sflag:$0x1] =	stream.indirect.gather [hbm4b:s8+s22], $0x20, s10, s22, $0xb8;
	[tilespmem:$0x1FF20] =	vst v63  }
0x14e: {  	_ =	swait.ge [sflag:s24], $0x2000  }
0x14f: {  	[sflag:s24] =	ssyncset.done $0x0  }
0x150: {  	s9 =	sadd.s32 $0xFFFFFF00, s9;
	s10 =	sadd.s32 $0x1900, s7;
	[sflag:s24] =	ssyncadd.s32 $0xFFFFE000  }
0x151: {  	[spmem:s2] =	stream.indirect.scatter.add.f32 [tilespmem:s23], [sflag:$0x2], $0x20, s10, s25, $0xb8;
	[tilespmem:$0x1FF20] =	vst v63  }
0x152: {  	p1 =	sgt.s32 s9, $0xFF;
	_ =	swait.ge [sflag:s19], $0x1000  }
.Ltmp10:
0x153: {  	[sflag:s19] =	ssyncset.done $0x0;
	(pc) =	sbr.rel @!p1 .LBB2_8-.Ltmp10, $4  }
0x154: {  	s10 =	sadd.s32 $0x1980, s7;
	[sflag:s19] =	ssyncadd.s32 $0xFFFFF000  }
0x155: {  	[spmem:s2] =	stream.indirect.scatter.add.f32 [tilespmem:s26], [sflag:$0x2], $0x20, s10, s25, $0xb8;
	[tilespmem:$0x1FF20] =	vst v63  }
0x156: {  	s28 =	sadd.s32 $0x100, s28;
	_ =	swait.ge [sflag:s19], $0x1000  }
0x157: {  	p0 =	por $0x1, $0x1;
	s7 =	sand.u32 $0x380, s28;
	[sflag:s19] =	ssyncset.done $0x0  }
.LBB2_7:
0x158: {  	s9 =	sadd.s32 $0xFFFFFF00, s9;
	s10 =	sadd.s32 $0x1D00, s7;
	[sflag:s19] =	ssyncadd.s32 $0xFFFFF000  }
0x159: {  	[tilespmem:s23], [sflag:$0x1] =	stream.indirect.gather [hbm4b:s8+s22], $0x20, s10, s22, $0xb8;
	[tilespmem:$0x1FF20] =	vst v63  }
0x15a: {  	p1 =	sgt.s32 s9, $0xFF;
	_ =	swait.ge [sflag:s24], $0x2000  }
0x15b: {  	[sflag:s24] =	ssyncset.done $0x0  }
0x15c: {  	s10 =	sadd.s32 $0x1900, s7;
	[sflag:s24] =	ssyncadd.s32 $0xFFFFE000  }
0x15d: {  	[spmem:s2] =	stream.indirect.scatter.add.f32 [tilespmem:s23], [sflag:$0x2], $0x20, s10, s25, $0xb8;
	[tilespmem:$0x1FF20] =	vst v63  }
0x15e: {  	_ =	swait.ge [sflag:s19], $0x1000  }
.Ltmp11:
0x15f: {  	[sflag:s19] =	ssyncset.done $0x0;
	(pc) =	sbr.rel @p1 .LBB2_7-.Ltmp11, $4  }
0x160: {  	s7 =	sadd.s32 $0x1980, s7;
	[sflag:s19] =	ssyncadd.s32 $0xFFFFF000  }
0x161: {  	[spmem:s2] =	stream.indirect.scatter.add.f32 [tilespmem:s26], [sflag:$0x2], $0x20, s7, s25, $0xb8;
	[tilespmem:$0x1FF20] =	vst v63  }
0x162: {  	s28 =	sadd.s32 $0x100, s28;
	_ =	swait.ge [sflag:s19], $0x1000  }
0x163: {  	s7 =	sand.u32 $0x380, s28;
	[sflag:s19] =	ssyncset.done $0x0  }
.Ltmp12:
0x164: {  	_ = 	snop;
	(pc) =	sbr.rel .LBB2_8-.Ltmp12, $1  }
0x165: {  	_ =	sdelay $0x3  }
.LBB2_11:
0x166: {  	s0 =	ssub.s32 s28, s6  }
0x167: {  	s0 =	sand.u32 $0xFF, s0  }
0x168: {  	s3 =	sadd.s32 $0xF, s0  }
0x169: {  	s3 =	sshrl.u32 s3, $0x4  }
0x16a: {  	p0 =	seq.s32 s3, $0x0  }
.Ltmp13:
0x16b: {  	_ = 	snop;
	(pc) =	sbr.rel @p0 .LBB2_15-.Ltmp13, $1  }
0x16c: {  	_ =	sdelay $0x3  }
0x16d: {  	s3 =	sshll.u32 s3, $0x4  }
0x16e: {  	v2 =	vadd.s32 s6, v1;
	p0 =	sne.s32 s3, $0x10  }
.Ltmp14:
0x16f: {  	v2 =	vand.u32 $0x3FF, v2;
	(pc) =	sbr.rel @!p0 .LBB2_14-.Ltmp14, $2  }
0x170: {  	_ =	sdelay $0x2  }
0x171: {  	s4 =	sadd.s32 $0x10, s6;
	s3 =	sadd.s32 $0xFFFFFFF0, s3  }
.LBB2_13:
0x172: {  	v4 =	vadd.s32 s4, v1;
	[tilespmem:v2+s20+$0x0] =	vst.idx.msk $0xffff, v1;
	v5 =	vor.u32 $0xDF00, v1;
	p0 =	sne.s32 s3, $0x10  }
.Ltmp15:
0x173: {  	s3 =	sadd.s32 $0xFFFFFFF0, s3;
	[tilespmem:v2+s21+$0x0] =	vst.idx.msk $0xffff, v5;
	v2 =	vand.u32 $0x3FF, v4;
	(pc) =	sbr.rel @p0 .LBB2_13-.Ltmp15, $2  }
0x174: {  	_ =	sdelay $0x2  }
0x175: {  	s4 =	sadd.s32 $0x10, s4  }
.LBB2_14:
0x176: {  	_ =	sdelay $0x3  }
0x177: {  	[tilespmem:v2+s20+$0x0] =	vst.idx.msk $0xffff, v1;
	v4 =	vor.u32 $0xDF00, v1  }
0x178: {  	[tilespmem:v2+s21+$0x0] =	vst.idx.msk $0xffff, v4  }
.LBB2_15:
0x179: {  	s3 =	sadd.s32 s6, s0  }
0x17a: {  	s3 =	ssub.s32 s3, s28  }
0x17b: {  	p0 =	slt.s32 s3, $0x100  }
.Ltmp16:
0x17c: {  	_ = 	snop;
	(pc) =	sbr.rel @p0 .LBB2_20-.Ltmp16, $1  }
0x17d: {  	_ =	sdelay $0x3  }
0x17e: {  	s3 =	sadd.s32 s0, s6  }
0x17f: {  	s3 =	ssub.s32 s3, s28  }
0x180: {  	s3 =	sadd.s32 $0x100, s3  }
0x181: {  	s4 =	sadd.s32 $0xFFFFFF00, s3  }
0x182: {  	p1 =	sgt.s32 s4, $0x1FF  }
.Ltmp17:
0x183: {  	_ = 	snop;
	(pc) =	sbr.rel @!p1 .LBB2_19-.Ltmp17, $2  }
0x184: {  	_ =	sdelay $0x2  }
0x185: {  	p0 =	por $0x0, $0x0;
	s3 =	sand.u32 $0x380, s28  }
0x186: {  	s6 =	sadd.s32 $0x1D00, s3  }
0x187: {  	[tilespmem:s23], [sflag:$0x1] =	stream.indirect.gather [hbm4b:s8+s22], $0x20, s6, s22, $0xb8;
	[tilespmem:$0x1FF20] =	vst v63  }
0x188: {  	_ =	swait.ge [sflag:s24], $0x2000  }
0x189: {  	[sflag:s24] =	ssyncset.done $0x0  }
0x18a: {  	s10 =	sadd.s32 $0x1900, s3;
	s4 =	sadd.s32 $0xFFFFFF00, s4;
	[sflag:s24] =	ssyncadd.s32 $0xFFFFE000  }
0x18b: {  	[spmem:s2] =	stream.indirect.scatter.add.f32 [tilespmem:s23], [sflag:$0x2], $0x20, s10, s25, $0xb8;
	[tilespmem:$0x1FF20] =	vst v63  }
0x18c: {  	p1 =	sgt.s32 s4, $0x1FF;
	_ =	swait.ge [sflag:s19], $0x1000  }
.Ltmp18:
0x18d: {  	[sflag:s19] =	ssyncset.done $0x0;
	(pc) =	sbr.rel @!p1 .LBB2_19-.Ltmp18, $4  }
0x18e: {  	s17 =	sadd.s32 $0x1980, s3;
	[sflag:s19] =	ssyncadd.s32 $0xFFFFF000  }
0x18f: {  	[spmem:s2] =	stream.indirect.scatter.add.f32 [tilespmem:s26], [sflag:$0x2], $0x20, s17, s25, $0xb8;
	[tilespmem:$0x1FF20] =	vst v63  }
0x190: {  	s28 =	sadd.s32 $0x100, s28;
	_ =	swait.ge [sflag:s19], $0x1000  }
0x191: {  	p0 =	por $0x1, $0x1;
	s3 =	sand.u32 $0x380, s28;
	[sflag:s19] =	ssyncset.done $0x0  }
.LBB2_18:
0x192: {  	s4 =	sadd.s32 $0xFFFFFF00, s4;
	s6 =	sadd.s32 $0x1D00, s3;
	[sflag:s19] =	ssyncadd.s32 $0xFFFFF000  }
0x193: {  	[tilespmem:s23], [sflag:$0x1] =	stream.indirect.gather [hbm4b:s8+s22], $0x20, s6, s22, $0xb8;
	[tilespmem:$0x1FF20] =	vst v63  }
0x194: {  	p1 =	sgt.s32 s4, $0x1FF;
	_ =	swait.ge [sflag:s24], $0x2000  }
0x195: {  	[sflag:s24] =	ssyncset.done $0x0  }
0x196: {  	s6 =	sadd.s32 $0x1900, s3;
	[sflag:s24] =	ssyncadd.s32 $0xFFFFE000  }
0x197: {  	[spmem:s2] =	stream.indirect.scatter.add.f32 [tilespmem:s23], [sflag:$0x2], $0x20, s6, s25, $0xb8;
	[tilespmem:$0x1FF20] =	vst v63  }
0x198: {  	_ =	swait.ge [sflag:s19], $0x1000  }
.Ltmp19:
0x199: {  	[sflag:s19] =	ssyncset.done $0x0;
	(pc) =	sbr.rel @p1 .LBB2_18-.Ltmp19, $4  }
0x19a: {  	s3 =	sadd.s32 $0x1980, s3;
	[sflag:s19] =	ssyncadd.s32 $0xFFFFF000  }
0x19b: {  	[spmem:s2] =	stream.indirect.scatter.add.f32 [tilespmem:s26], [sflag:$0x2], $0x20, s3, s25, $0xb8;
	[tilespmem:$0x1FF20] =	vst v63  }
0x19c: {  	s28 =	sadd.s32 $0x100, s28;
	_ =	swait.ge [sflag:s19], $0x1000  }
0x19d: {  	s3 =	sand.u32 $0x380, s28;
	[sflag:s19] =	ssyncset.done $0x0  }
.Ltmp20:
0x19e: {  	_ = 	snop;
	(pc) =	sbr.rel .LBB2_19-.Ltmp20, $1  }
0x19f: {  	_ =	sdelay $0x3  }
.LBB2_22:
0x1a0: {  	_ =	sfence.sel $0x180000  }
0x1a1: {  	[bflag:$0x0] =	sbarrier.arrive $0xFFFF  }
0x1a2: {  	_ =	strace $0x90000047  }
0x1a3: {  	s0 =	stileid.u32;
	[bflag:$0x2] =	sbarrier.arrive $0xFFFF  }
0x1a4: {  	p0 =	sne.s32 s0, $0x0;
	s0 =	rddreg [dreg:$0x4]  }
0x1a5: {  	s0 =	sadd.s32 @!p0 $0x100000, s0  }
0x1a6: {  	[sflag:s0] =	ssyncadd.tile.s32 @!p0 $0x1;
	_ =	shalt  }
.Lfunc_end2:
_tile_overlayer_lowered:
.L_overlay_start_2:
0x1a7: {  	(tag) =	ssettag $0x2  }
0x1a8: {  	s0 =	rddreg [dreg:$0x0];
	s2 =	stileid.u32  }
0x1a9: {  	s1 =	rddreg [dreg:$0x1];
	p0 =	sne.s32 s2, $0x0  }
0x1aa: {  	s3 =	rddreg [dreg:$0x2];
	[bflag:$0x3] =	sbarrier.arrive $0xFFFF;
	s2 =	simm.s32 @!p0 $0x1C02  }
0x1ab: {  	[timem:s3], [sflag:s2] =	dma.local @!p0 [hbm:s0], s1  }
0x1ac: {  	s0 =	simm.s32 @!p0 $0x2  }
0x1ad: {  	_ =	swait.ge @!p0 [sflag:s0], s1  }
0x1ae: {  	s1 =	ssub.s32 @!p0 $0x0, s1;
	[sflag:s0] =	ssyncset.done @!p0 $0x0  }
0x1af: {  	[sflag:s0] =	ssyncadd.s32 @!p0 s1  }
0x1b0: {  	[bflag:$0x3] =	sbarrier.arrive $0xFFFF  }
0x1b1: {  	_ =	shalt  }

// kernel: sparse-core-data-format-call.cloned.1.call-start
scs
called_computation_lowered:
.L_overlay_start_0:
0x0: {  	s2 =	sld [smem:$0x3FD9]  }
0x1: {  	s3 =	sld [smem:$0x3FFE];
	_ =	sdelay $0x1  }
0x2: {  	s1 =	srdreg.scid  }
0x3: {  	s0 =	sand.u32 $0x1, s1  }
0x4: {  	s18 =	sshll.u32 s0, $0xA;
	s2 =	sadd.s32 s3, s2  }
0x5: {  	s2 =	sadd.s32 s2, s18  }
0x6: {  	[smem:$0x3FC5] =	sst s2  }
0x7: {  	_ = 	snop  }
0x8: {  	s2 =	sld [smem:$0x3FD0];
	(tm) =	ssettm $0x1  }
0x9: {  	s19 =	sld [smem:$0x3FFB];
	_ =	sdelay $0x3  }
0xa: {  	_ =	strace s19  }
0xb: {  	s3 =	sld [smem:$0x3FFC];
	_ =	sdelay $0x3  }
0xc: {  	_ =	strace s3  }
0xd: {  	s3 =	sld [smem:$0x3FFD];
	_ =	sdelay $0x3  }
0xe: {  	_ =	strace s3  }
0xf: {  	_ =	strace $0x8FFFFFFF  }
0x10: {  	s20 =	sld [smem:$0x3FDB];
	_ =	sdelay $0x1  }
0x11: {  	s4 =	simm.s32 $_scs_section_size  }
0x12: {  	s5 =	simm.s32 $_size__tile_overlayer_lowered;
	s6 =	simm.s32 $_tile_overlayer_lowered  }
0x13: {  	s23 =	simm.s32 $0x1BFF;
	s22 =	sshll.u32 s6, $0x1;
	s3 =	sadd.s32 s4, s20  }
0x14: {  	s7 =	simm.s32 $0x0;
	s21 =	sshll.u32 s5, $0x1;
	s5 =	sadd.s32 s22, s3  }
0x15: {  	[timem:s7], [sflag:s23] =	dma.local [hbm:s5], s21  }
0x16: {  	_ =	swait.ge [sflag:s23], s21  }
0x17: {  	s4 =	ssub.s32 $0x0, s21;
	[sflag:s23] =	ssyncset.done $0x0  }
0x18: {  	[sflag:s23] =	ssyncadd.s32 s4;
	_ =	sdelay $0x1  }
0x19: {  	s24 =	simm.s32 $0x1B8B  }
0x1a: {  	_ =	swait.ge [sflag:s24], $0x1  }
0x1b: {  	[sflag:s24] =	ssyncset.done $0x0  }
0x1c: {  	s26 =	simm.s32 $0x1B8E;
	s25 =	sld [smem:$0x3FFE];
	[sflag:s24] =	ssyncadd.s32 $0xFFFFFFFF  }
0x1d: {  	s27 =	simm.s32 $execute0_lowered;
	[smem:$0x3FD2] =	sst s26  }
0x1e: {  	s5 =	sshll.u32 s27, $0x1;
	_ =	strace $0x80000049;
	[dreg:$0x1] =	wrdreg $0xFFFFFFFF  }
0x1f: {  	s28 =	simm.s32 $_size_execute0_lowered;
	s3 =	sadd.s32 s3, s5;
	[dreg:$0x0] =	wrdreg $0x0  }
0x20: {  	s5 =	sshll.u32 s28, $0x1;
	[dreg:$0x2] =	wrdreg s3  }
0x21: {  	[dreg:$0x3] =	wrdreg s5  }
0x22: {  	[dreg:$0x4] =	wrdreg $0xC0  }
0x23: {  	_ =	task [dreg:s7], $0x5FFFF  }
0x24: {  	[dreg:$0x1] =	wrdreg $0xFFFFFFFF  }
0x25: {  	[dreg:$0x0] =	wrdreg $0x60  }
0x26: {  	[dreg:$0x2] =	wrdreg s25  }
0x27: {  	[dreg:$0x3] =	wrdreg s2  }
0x28: {  	[dreg:$0x4] =	wrdreg $0x9  }
0x29: {  	_ =	task.clear_ibuf [dreg:s7], $0x5FFFF;
	_ =	strace $0x90000049  }
0x2a: {  	s29 =	simm.s32 $0x9;
	_ =	strace $0x8000004B  }
0x2b: {  	_ =	swait.ge [sflag:s29], $0x1  }
0x2c: {  	[sflag:s29] =	ssyncadd.s32 $0xFFFFFFFF  }
0x2d: {  	_ =	strace $0x9000004B  }
0x2e: {  	_ =	sfence  }
0x2f: {  	s30 =	sld [smem:$0x0];
	_ =	sdelay $0x2  }
0x30: {  	s31 =	sshll.u32 s1, $0xD;
	s1 =	sshrl.u32 s1, $0x2  }
0x31: {  	s3 =	sand.u32 $0x4000, s31;
	s1 =	sadd.s32 s1, s30  }
0x32: {  	s0 =	sor.u32 s3, s0;
	s1 =	sshll.u32 s1, $0x11  }
0x33: {  	s0 =	sor.u32 s1, s0  }
0x34: {  	s0 =	sadd.s32 $0x8F2B, s0  }
0x35: {  	[sflag:s0] =	ssyncadd.remote.s32 $0x1  }
0x36: {  	_ =	sfence.sel $0xFFFF  }
0x37: {  	[dreg:$0x0] =	wrdreg $0xFFFFFFFF;
	(pc) =	sbr.abs _section_cstart, $3  }
0x38: {  	[dreg:$0x1] =	wrdreg $0xFFFFFFFF  }
0x39: {  	_ =	task.clear_ibuf [dreg:s7], $0x2FFFF;
	_ =	strace $0x9FFFFFFF  }
0x3a: {  	(tm) =	ssettm $0x7FFFFFFF  }
0x3b: {  	_ =	shalt  }
tec
execute0_lowered:
.L_overlay_start_1:
0x0: {  	(tag) =	ssettag $0x1  }
0x1: {  	s4 =	rddreg [dreg:$0x0]  }
0x2: {  	s0 =	srdreg.scid;
	s2 =	rddreg [dreg:$0x1]  }
0x3: {  	s1 =	stileid.u32;
	s5 =	simm.s32 $0x1;
	s0 =	sshll.u32 s0, $0x4  }
0x4: {  	s7 =	simm.s32 $0x2;
	s11 =	simm.s32 $0x0;
	s3 =	sand.u32 $0x10, s0  }
.Ltmp0:
0x5: {  	p0 =	por $0x0, $0x0;
	s3 =	sor.u32 s1, s3;
	(pc) =	sbr.rel .LBB1_1-.Ltmp0, $4  }
0x6: {  	s8 =	simm.s32 $0x7A1400;
	s10 =	simm.s32 $0x0;
	s3 =	sshll.u32 s3, $0x7  }
0x7: {  	s0 =	rddreg [dreg:$0x2];
	_ =	strace $0x8000004A;
	s6 =	ssub.s32 $0xF4200, s3  }
0x8: {  	s4 =	sadd.s32 $0x3D1200, s4;
	[sflag:s5] =	ssyncpa.u1 $0x0;
	s6 =	sshrl.u32 s6, $0xC  }
0x9: {  	[sflag:s7] =	ssyncpa.u1 $0x0;
	s9 =	smov.u32 s3;
	s7 =	sadd.s32 $0x2, s6  }
.LBB1_5:
0xa: {  	s13 =	sadd.s32 $0x1000, s9  }
0xb: {  	p2 =	sgt.s32 s13, $0xF423F  }
0xc: {  	s13 =	smov.u32 @p2 s3;
	p2 =	sne.s32 s10, s7  }
.Ltmp1:
0xd: {  	p1 =	slt.u32 s10, $0x2;
	(pc) =	sbr.rel @!p2 .LBB1_6-.Ltmp1, $4  }
0xe: {  	s12 =	simm.s32 @!p1 $0x2  }
0xf: {  	s14 =	sadd.s32 $0x1, s10;
	_ =	swait.ge @!p1 [sflag:s12], $0x1000  }
0x10: {  	s11 =	smov.u32 s9;
	p0 =	por !p0, !p0;
	[sflag:s12] =	ssyncset.done @!p1 $0x0  }
0x11: {  	s10 =	smov.u32 s14;
	s9 =	smov.u32 s13;
	[sflag:s12] =	ssyncadd.s32 @!p1 $0xFFFFF000  }
.LBB1_1:
0x12: {  	p1 =	sgt.u32 s10, s6  }
0x13: {  	s13 =	smov.u32 s9;
	p2 =	sgt.s32 @!p1 s9, $0xF41C0  }
0x14: {  	s12 =	sand.u32 @!p1 $0x1FFFFFF, s9;
	s14 =	sshra.s32 @!p1 s9, $0x1F;
	p2 =	por !p2, p1  }
0x15: {  	s15 =	smulhi.u32 @!p1 $0x218DEF5, s12;
	s14 =	sand.u32 @!p1 s14, s9;
	s13 =	simm.s32 @p2 $0xF41C0  }
0x16: {  	s13 =	ssub.s32 @!p1 s13, s14  }
0x17: {  	s14 =	sshrl.u32 @!p1 s15, $0xD;
	s13 =	sadd.s32 @!p1 $0xFFF0BE40, s13  }
0x18: {  	s15 =	sxor.u32 @!p1 $0xFFFFFFFF, s10;
	s14 =	smul.u32 @!p1 $0xF4240, s14;
	s16 =	sshll.u32 @!p1 s13, $0x7  }
0x19: {  	s15 =	sshll.u32 @!p1 s15, $0xC;
	p2 =	sgt.s32 @!p1 s13, $0x7F;
	s13 =	ssub.s32 @!p1 $0x4000, s16  }
0x1a: {  	s12 =	ssub.s32 @!p1 s12, s14;
	p2 =	por !p2, p1;
	s14 =	sand.u32 @!p1 $0x1000, s15  }
0x1b: {  	s15 =	simm.s32 @!p1 $0x20;
	s13 =	sshrl.u32 @!p1 s13, $0x2;
	s12 =	sshll.u32 @!p1 s12, $0x4  }
0x1c: {  	s16 =	simm.s32 @!p1 $0x80;
	s13 =	simm.s32 @!p2 $0x0;
	s12 =	sadd.s32 @!p1 s4, s12  }
0x1d: {  	[tilespmem:s14], [sflag:$0x1] =	stream.strided.gather @!p1 [hbm4b:s12+s15], s13, s16, s15, $0x38;
	[tilespmem:$0x4040] =	vst v63  }
0x1e: {  	p1 =	seq.s32 s10, $0x0  }
0x1f: {  	p2 =	sge.u32 @!p1 s10, s7  }
0x20: {  	p1 =	por p1, p2  }
.Ltmp2:
0x21: {  	_ = 	snop;
	(pc) =	sbr.rel @p1 .LBB1_5-.Ltmp2, $1  }
0x22: {  	_ =	sdelay $0x3  }
0x23: {  	p1 =	sgt.s32 s11, $0xF41C0;
	s12 =	smov.u32 s11;
	s13 =	sshra.s32 s11, $0x1F  }
0x24: {  	s12 =	simm.s32 @!p1 $0xF41C0;
	s13 =	sand.u32 s13, s11  }
0x25: {  	s12 =	ssub.s32 s12, s13  }
0x26: {  	s12 =	sadd.s32 $0xFFF0BE40, s12  }
0x27: {  	s28 =	sshll.u32 s12, $0x7  }
0x28: {  	s13 =	ssub.s32 $0x4000, s28  }
0x29: {  	p1 =	sgt.s32 s12, $0x7F;
	s12 =	sshrl.u32 s13, $0x2  }
0x2a: {  	s13 =	simm.s32 $0x1;
	s12 =	simm.s32 @p1 $0x0  }
0x2b: {  	s13 =	simm.s32 @!p0 $0x0;
	_ =	swait.ge [sflag:s5], s12  }
0x2c: {  	s14 =	sshll.u32 s13, $0xC;
	s12 =	ssub.s32 $0x0, s12;
	[sflag:s5] =	ssyncset.done $0x0  }
0x2d: {  	s16 =	sor.u32 $0x10, s14;
	[sflag:s5] =	ssyncadd.s32 s12  }
0x2e: {  	s29 =	smul.u32 $0x4080, s13;
	v1 =	vld [tilespmem:s16+$0x0]  }
0x2f: {  	s30 =	sand.u32 $0x1, s10;
	v0 =	vld [tilespmem:s16+$0xFFFFFFF0]  }
0x30: {  	s13 =	smul.u32 $0x4080, s30;
	s12 =	sshrl.u32 s29, $0x2  }
0x31: {  	s14 =	sor.u32 $0x2000, s12  }
0x32: {  	s31 =	sshrl.u32 s13, $0x2;
	s13 =	sadd.s32 $0x0, s14  }
0x33: {  	s15 =	simm.s32 $0x4;
	s12 =	sor.u32 $0x2000, s31;
	s16 =	sadd.s32 $0x20, s16;
	[tilespmem:s13+$0x810 ss:$0x81] =	vst.msk $0xffff, v1  }
.LBB1_3:
0x34: {  	v1 =	vld [tilespmem:s16+$0x0];
	p1 =	sne.s32 s15, $0x1FC;
	[tilespmem:s13+$0x0 ss:$0x81] =	vst.msk $0xffff, v0;
	s13 =	smov.u32 s15;
	s15 =	sadd.s32 $0x4, s15  }
.Ltmp3:
0x35: {  	v0 =	vld [tilespmem:s16+$0xFFFFFFF0];
	(pc) =	sbr.rel @p1 .LBB1_3-.Ltmp3, $4  }
0x36: {  	_ = 	snop  }
0x37: {  	s13 =	sshra.s32 s13, $0x2  }
0x38: {  	s13 =	sadd.s32 s13, s14  }
0x39: {  	s16 =	sadd.s32 $0x20, s16;
	[tilespmem:s13+$0x810 ss:$0x81] =	vst.msk $0xffff, v1  }
0x3a: {  	s14 =	sshll.u32 s11, $0x3  }
0x3b: {  	s30 =	sand.u32 $0x7F, s11;
	s14 =	sand.u32 $0xFFFFFC00, s14  }
0x3c: {  	s11 =	sor.u32 s30, s14  }
0x3d: {  	s15 =	smulhi.u32 $0x218D6287, s11;
	_ =	sdelay $0x1  }
0x3e: {  	s14 =	smulhi.u32 $0x218D6287, s14;
	s15 =	sshrl.u32 s15, $0x11  }
0x3f: {  	s15 =	smul.u32 $0xF4280, s15  }
0x40: {  	s14 =	sshrl.u32 s14, $0x11  }
.Ltmp4:
0x41: {  	s14 =	sand.u32 $0x1F, s14;
	s11 =	ssub.s32 s11, s15;
	(pc) =	sbr.rel .LBB1_5-.Ltmp4, $4  }
0x42: {  	s14 =	smul.u32 $0x1E850, s14;
	s15 =	sshrl.u32 s11, $0x3;
	s11 =	sand.u32 $0x7, s11  }
0x43: {  	s15 =	sadd.s32 s2, s15;
	s11 =	sshll.u32 s11, $0x12  }
0x44: {  	[tilespmem:s13+$0x0 ss:$0x81] =	vst.msk $0xffff, v0;
	s31 =	sadd.s32 s14, s15;
	s11 =	sor.u32 $0x400, s11  }
0x45: {  	[hbm4b:s31+s11] =	stream.strided.scatter [tilespmem:s12], [sflag:$0x2], $0x1000, s8, s11, $0x20;
	[tilespmem:$0x4040] =	vst v63  }
.LBB1_6:
0x46: {  	_ =	sfence.sel $0x180000  }
0x47: {  	s2 =	simm.s32 $0x1;
	[bflag:$0x0] =	sbarrier.arrive $0xFFFF  }
0x48: {  	s31 =	simm.s32 $0x2;
	[sflag:s2] =	ssyncpa.u1 $0x1  }
0x49: {  	[sflag:s31] =	ssyncpa.u1 $0x1  }
0x4a: {  	p0 =	sne.s32 s1, $0x0;
	_ =	strace $0x9000004A  }
0x4b: {  	s0 =	sadd.s32 @!p0 $0x100000, s0;
	[bflag:$0x2] =	sbarrier.arrive $0xFFFF  }
0x4c: {  	[sflag:s0] =	ssyncadd.tile.s32 @!p0 $0x1;
	_ =	shalt  }
.Lfunc_end1:
_tile_overlayer_lowered:
.L_overlay_start_2:
0x4d: {  	(tag) =	ssettag $0x2  }
0x4e: {  	s0 =	rddreg [dreg:$0x0];
	s2 =	stileid.u32  }
0x4f: {  	s1 =	rddreg [dreg:$0x1];
	p0 =	sne.s32 s2, $0x0  }
0x50: {  	s3 =	rddreg [dreg:$0x2];
	[bflag:$0x3] =	sbarrier.arrive $0xFFFF;
	s2 =	simm.s32 @!p0 $0x1C01  }
0x51: {  	[timem:s3], [sflag:s2] =	dma.local @!p0 [hbm:s0], s1  }
0x52: {  	s0 =	simm.s32 @!p0 $0x1  }
0x53: {  	_ =	swait.ge @!p0 [sflag:s0], s1  }
0x54: {  	s1 =	ssub.s32 @!p0 $0x0, s1;
	[sflag:s0] =	ssyncset.done @!p0 $0x0  }
0x55: {  	[sflag:s0] =	ssyncadd.s32 @!p0 s1  }
0x56: {  	[bflag:$0x3] =	sbarrier.arrive $0xFFFF  }
0x57: {  	_ =	shalt  }

</sc_bundles>
